<compile_context>
chip_gen: v7x
topology: tpu7x:2x2x1
jax: 0.10.2.dev20260603
libtpu: 0.0.44.dev20260713+nightly
codegen_flags: <defaults>
</compile_context>

<pallas_src>
import jax
import jax.numpy as jnp
from jax import lax
from jax.experimental import pallas as pl
from jax.experimental.pallas import tpu as pltpu
from jax.experimental.pallas import tpu_sc as plsc

B, H, W = 16, 512, 512
N = B * H * W

NC, NS, LANES = 2, 16, 16
NT = NC * NS
PER_TILE = N // NT
CHUNK = 8192
NCHUNK = PER_TILE // CHUNK
VREGS = CHUNK // LANES

NB0 = 1024
NB1 = 2048


def _tc_scal_body(ratio_ref, pv_ref, vm_ref, w_ref, scal_ref, acc_ref):
    @pl.when(pl.program_id(0) == 0)
    def _():
        acc_ref[...] = jnp.zeros_like(acc_ref)

    for g in range(w_ref.shape[0]):
        d0 = pv_ref[2 * g] - vm_ref[2 * g]
        d1 = pv_ref[2 * g + 1] - vm_ref[2 * g + 1]
        loss = d0 * d0 + d1 * d1
        wf = w_ref[g].astype(jnp.float32)
        acc_ref[0:1, :] += jnp.sum(wf, axis=0, keepdims=True)
        acc_ref[1:2, :] += jnp.sum(loss * wf, axis=0, keepdims=True)
        acc_ref[2:3, :] += jnp.sum(loss, axis=0, keepdims=True)

    @pl.when(pl.program_id(0) == pl.num_programs(0) - 1)
    def _():
        sum_pos = jnp.sum(acc_ref[0, :])
        pos_sum = jnp.sum(acc_ref[1, :])
        neg_sum = jnp.sum(acc_ref[2, :]) - pos_sum
        neg_count = jnp.float32(N) - sum_pos
        k = jnp.minimum(ratio_ref[0] * sum_pos, neg_count)
        k = jnp.where(sum_pos == 0.0, 1.0, k)
        scal_ref[0] = sum_pos
        scal_ref[1] = pos_sum
        scal_ref[2] = k
        scal_ref[3] = (pos_sum + neg_sum) / (sum_pos + k)
        scal_ref[4] = jnp.where(k >= neg_count, 1.0, 0.0)


def _tc_keys_body(pv_ref, vm_ref, w_ref, key_ref):
    d0 = pv_ref[0] - vm_ref[0]
    d1 = pv_ref[1] - vm_ref[1]
    loss = d0 * d0 + d1 * d1
    key_ref[0] = jnp.where(w_ref[0] == 0,
                           lax.bitcast_convert_type(loss, jnp.int32),
                           jnp.int32(-1))


def _bins_and_mask(shift, nbins, prefix_vec, kv, lane_off):
    msk = kv >= 0
    if prefix_vec is not None:
        msk = msk & ((kv >> 21) == prefix_vec)
    bins = (kv >> shift) & (nbins - 1)
    bins = jnp.where(msk, bins, 0)
    return msk, lane_off + bins


def _sc_hist_body(nbins, shift, keys_hbm, prefix_vec, cnt_out, sum_out,
                  buf, hc, hs, oc, osum):
    wid = lax.axis_index("s") * NC + lax.axis_index("c")
    base = wid * PER_TILE
    zero16 = jnp.zeros((LANES,), jnp.float32)
    ones = jnp.ones((LANES,), jnp.float32)
    lane_off = lax.iota(jnp.int32, LANES) * nbins

    def zbody(i, _):
        hc[pl.ds(i * LANES, LANES)] = zero16
        hs[pl.ds(i * LANES, LANES)] = zero16
        return 0
    lax.fori_loop(0, nbins, zbody, 0)

    def chunk_body(c, _):
        pltpu.sync_copy(keys_hbm.at[pl.ds(base + c * CHUNK, CHUNK)], buf)

        def vbody(i, _):
            kv = buf[pl.ds(i * LANES, LANES)]
            msk, idx = _bins_and_mask(shift, nbins, prefix_vec, kv, lane_off)
            plsc.addupdate_scatter(hc, [idx], ones, mask=msk)
            plsc.addupdate_scatter(hs, [idx], plsc.bitcast(kv, jnp.float32),
                                   mask=msk)
            return 0
        lax.fori_loop(0, VREGS, vbody, 0)
        return 0
    lax.fori_loop(0, NCHUNK, chunk_body, 0)

    def rbody(c, _):
        accc = zero16
        accs = zero16
        for l in range(LANES):
            accc = accc + hc[pl.ds(l * nbins + c * LANES, LANES)]
            accs = accs + hs[pl.ds(l * nbins + c * LANES, LANES)]
        oc[pl.ds(c * LANES, LANES)] = accc
        osum[pl.ds(c * LANES, LANES)] = accs
        return 0
    lax.fori_loop(0, nbins // LANES, rbody, 0)

    pltpu.sync_copy(oc, cnt_out.at[pl.ds(wid * nbins, nbins)])
    pltpu.sync_copy(osum, sum_out.at[pl.ds(wid * nbins, nbins)])


def _sc_l0_body(keys_hbm, cnt_out, sum_out, buf, hc, hs, oc, osum):
    _sc_hist_body(NB0, 21, keys_hbm, None, cnt_out, sum_out,
                  buf, hc, hs, oc, osum)


def _sc_l1_body(keys_hbm, b0_hbm, cnt_out, sum_out, buf, bb, hc, hs, oc, osum):
    pltpu.sync_copy(b0_hbm, bb)
    b0v = bb[...]
    _sc_hist_body(NB1, 10, keys_hbm, b0v, cnt_out, sum_out,
                  buf, hc, hs, oc, osum)


def _rev_cumsum_excl(x):
    return jnp.cumsum(x[::-1])[::-1] - x


def kernel(predict, vec_mask, weight, negative_ratio):
    pv = predict.reshape(B * 2, H, W)
    vm = vec_mask.reshape(B * 2, H, W)

    ratio = jnp.asarray(negative_ratio, jnp.float32).reshape(1)
    GB = 2
    scal = pl.pallas_call(
        _tc_scal_body,
        grid=(B // GB,),
        in_specs=[
            pl.BlockSpec(memory_space=pltpu.SMEM),
            pl.BlockSpec((2 * GB, H, W), lambda b: (b, 0, 0)),
            pl.BlockSpec((2 * GB, H, W), lambda b: (b, 0, 0)),
            pl.BlockSpec((GB, H, W), lambda b: (b, 0, 0)),
        ],
        out_specs=pl.BlockSpec(memory_space=pltpu.SMEM),
        out_shape=jax.ShapeDtypeStruct((5,), jnp.float32),
        scratch_shapes=[pltpu.VMEM((3, W), jnp.float32)],
        compiler_params=pltpu.CompilerParams(
            vmem_limit_bytes=100 * 1024 * 1024),
    )(ratio, pv, vm, weight)

    sum_pos = scal[0]
    pos_loss_sum = scal[1]
    k = scal[2]

    def fast_path():
        return scal[3]

    def hist_path():
        keys = pl.pallas_call(
            _tc_keys_body,
            grid=(B,),
            in_specs=[
                pl.BlockSpec((2, H, W), lambda b: (b, 0, 0)),
                pl.BlockSpec((2, H, W), lambda b: (b, 0, 0)),
                pl.BlockSpec((1, H, W), lambda b: (b, 0, 0)),
            ],
            out_specs=pl.BlockSpec((1, H, W), lambda b: (b, 0, 0)),
            out_shape=jax.ShapeDtypeStruct((B, H, W), jnp.int32),
        )(pv, vm, weight)
        keys_flat = keys.reshape(N)

        mesh = plsc.VectorSubcoreMesh(core_axis_name="c",
                                      subcore_axis_name="s")
        sc_params = pltpu.CompilerParams(needs_layout_passes=False)

        l0 = pl.kernel(
            _sc_l0_body,
            out_type=(
                jax.ShapeDtypeStruct((NT * NB0,), jnp.float32),
                jax.ShapeDtypeStruct((NT * NB0,), jnp.float32),
            ),
            mesh=mesh,
            scratch_types=[
                pltpu.VMEM((CHUNK,), jnp.int32),
                pltpu.VMEM((LANES * NB0,), jnp.float32),
                pltpu.VMEM((LANES * NB0,), jnp.float32),
                pltpu.VMEM((NB0,), jnp.float32),
                pltpu.VMEM((NB0,), jnp.float32),
            ],
            compiler_params=sc_params,
        )
        c0f, s0f = l0(keys_flat)
        C0 = c0f.reshape(NT, NB0).sum(axis=0)
        S0 = s0f.reshape(NT, NB0).sum(axis=0)

        A0 = _rev_cumsum_excl(C0)
        SA0 = _rev_cumsum_excl(S0)
        sel0 = (A0 < k) & (A0 + C0 >= k)
        b0 = jnp.argmax(sel0).astype(jnp.int32)
        cnt_above0 = A0[b0]
        sum_above0 = SA0[b0]

        b0_vec = jnp.full((LANES,), b0, jnp.int32)

        l1 = pl.kernel(
            _sc_l1_body,
            out_type=(
                jax.ShapeDtypeStruct((NT * NB1,), jnp.float32),
                jax.ShapeDtypeStruct((NT * NB1,), jnp.float32),
            ),
            mesh=mesh,
            scratch_types=[
                pltpu.VMEM((CHUNK,), jnp.int32),
                pltpu.VMEM((LANES,), jnp.int32),
                pltpu.VMEM((LANES * NB1,), jnp.float32),
                pltpu.VMEM((LANES * NB1,), jnp.float32),
                pltpu.VMEM((NB1,), jnp.float32),
                pltpu.VMEM((NB1,), jnp.float32),
            ],
            compiler_params=sc_params,
        )
        c1f, s1f = l1(keys_flat, b0_vec)
        C1 = c1f.reshape(NT, NB1).sum(axis=0)
        S1 = s1f.reshape(NT, NB1).sum(axis=0)

        A1 = _rev_cumsum_excl(C1) + cnt_above0
        SA1 = _rev_cumsum_excl(S1) + sum_above0
        sel1 = (A1 < k) & (A1 + C1 >= k)
        j0 = jnp.argmax(sel1)
        r = k - A1[j0]
        avg = S1[j0] / jnp.maximum(C1[j0], 1.0)
        topk = SA1[j0] + r * avg
        topk = jnp.where(k <= 0, 0.0, topk)
        return (pos_loss_sum + topk) / (sum_pos + k)

    return lax.cond(scal[4] > 0.0, fast_path, hist_path)

# --- scband reference (transcript-rebuilt; emitter-appended) ---
"""Pipeline reference for scband-text-loss-4183298146409 (READ-ONLY COPY).

The authoritative reference and input builder live on the scoring server;
editing this copy changes nothing except your own understanding.
"""

import jax, jax.numpy as jnp
import numpy as np


def setup_inputs(seed: int = 0):
    key = jax.random.key(seed)
    k1, k2, k3 = jax.random.split(key, 3)
    predict = jax.random.normal(k1, (16, 2, 512, 512), dtype=jnp.float32)
    vec_mask = jax.random.normal(k2, (16, 2, 512, 512), dtype=jnp.float32)
    weight = jax.random.randint(k3, (16, 512, 512), 0, 2, dtype=jnp.int32)
    return {"predict": predict, "vec_mask": vec_mask, "weight": weight, "negative_ratio": 3}


def reference(predict, vec_mask, weight, negative_ratio):
    # flatten like torch: permute(0,2,3,1).view(-1,2)
    wp = jnp.transpose(predict, (0, 2, 3, 1)).reshape(-1, 2)
    vm = jnp.transpose(vec_mask, (0, 2, 3, 1)).reshape(-1, 2)
    w = weight.reshape(-1).astype(jnp.float32)
    region_pos = w > 0
    region_neg = w == 0
    sum_pos = jnp.sum(region_pos.astype(jnp.int32))
    sum_neg = jnp.sum(region_neg.astype(jnp.int32))
    sum_hard_neg = jnp.minimum(negative_ratio * sum_pos, sum_neg)
    sum_hard_neg = jnp.where(sum_pos == 0, 1, sum_hard_neg)
    n = w.shape[0]
    # F.mse_loss(..., reduction='none') == elementwise squared error
    loss_all = jnp.sum((wp - vm) ** 2, axis=1)
    loss_pos = jnp.where(region_pos, loss_all, 0.0)
    loss_neg = jnp.where(region_neg, loss_all, -jnp.inf)
    loss_neg_sorted, _ = jax.lax.top_k(loss_neg, n)
    loss_neg_top = jnp.where(jnp.arange(n) < sum_hard_neg, loss_neg_sorted, 0.0)
    weight_pos = jnp.where(region_pos, w, 0.0)
    loss = ((loss_pos * weight_pos).sum() + loss_neg_top.sum()) / (
        weight_pos.sum() + sum_hard_neg.astype(jnp.float32)
    )
    return loss

if __name__ == "__main__":
    import jax
    _d = setup_inputs()
    print(jax.jit(kernel)(*tuple(_d.values())))

</pallas_src>

<mosaic_0001>
#map = affine_map<(d0, d1) -> (0)>
module attributes {stable_mosaic.version = 14 : i64} {
  func.func @_sc_l0_body(%arg0: i32, %arg1: i32, %arg2: memref<4194304xi32, #tpu.memory_space<hbm>>, %arg3: memref<32768xf32, #tpu.memory_space<hbm>>, %arg4: memref<32768xf32, #tpu.memory_space<hbm>>, %arg5: memref<8192xi32, #tpu.memory_space<vmem>>, %arg6: memref<16384xf32, #tpu.memory_space<vmem>>, %arg7: memref<16384xf32, #tpu.memory_space<vmem>>, %arg8: memref<1024xf32, #tpu.memory_space<vmem>>, %arg9: memref<1024xf32, #tpu.memory_space<vmem>>) attributes {dimension_semantics = [#tpu.dimension_semantics<core_parallel>, #tpu.dimension_semantics<subcore_parallel>], iteration_bounds = array<i64: 2, 16>, scalar_prefetch = 0 : i64, scratch_operands = 5 : i64, tpu.core_type = #tpu.core_type<sc_vector_subcore>, window_params = [{transform_indices = #map}, {transform_indices = #map}, {transform_indices = #map}]} {
    %mul3A = arith.constant 2 : i32
    %mul3A_0 = arith.muli %arg1, %mul3A : i32
    %add3A = arith.addi %mul3A_0, %arg0 : i32
    %mul3A_1 = arith.constant 131072 : i32
    %mul3A_2 = arith.muli %add3A, %mul3A_1 : i32
    %broadcast_in_dim3A = arith.constant 0.000000e+00 : f32
    %broadcast_in_dim3A_3 = vector.broadcast %broadcast_in_dim3A : f32 to vector<16xf32>
    %broadcast_in_dim3A_4 = arith.constant 1.000000e+00 : f32
    %broadcast_in_dim3A_5 = vector.broadcast %broadcast_in_dim3A_4 : f32 to vector<16xf32>
    %iota3A = tpu.iota {dimensions = array<i32: 0>} : vector<16xi32>
    %mul3A_6 = arith.constant 1024 : i32
    %mul3A_7 = vector.broadcast %mul3A_6 : i32 to vector<16xi32>
    %mul3A_8 = arith.muli %iota3A, %mul3A_7 : vector<16xi32>
    %scan3A = arith.constant 0 : i32
    %scan3A_9 = arith.constant 0 : i32
    %scan3A_10 = arith.constant 1024 : i32
    %scan3A_11 = arith.addi %scan3A_9, %scan3A_10 : i32
    %scan3A_12 = arith.constant 1 : i32
    %scan3A_13 = scf.for %scan3A_33 = %scan3A_9 to %scan3A_11 step %scan3A_12 iter_args(%scan3A_34 = %scan3A) -> (i32)  : i32 {
      %mul3A_35 = arith.constant 16 : i32
      %mul3A_36 = arith.muli %scan3A_33, %mul3A_35 : i32
      %swap3A = arith.index_cast %mul3A_36 : i32 to index
      %swap3A_37 = tpu.vector_load %arg6[%swap3A] {strides = array<i32>} : memref<16384xf32, #tpu.memory_space<vmem>>, vector<16xf32>,
      tpu.vector_store %arg6[%swap3A], %broadcast_in_dim3A_3 {strides = array<i32>} : memref<16384xf32, #tpu.memory_space<vmem>>, vector<16xf32>,
      %mul3A_38 = arith.constant 16 : i32
      %mul3A_39 = arith.muli %scan3A_33, %mul3A_38 : i32
      %swap3A_40 = arith.index_cast %mul3A_39 : i32 to index
      %swap3A_41 = tpu.vector_load %arg7[%swap3A_40] {strides = array<i32>} : memref<16384xf32, #tpu.memory_space<vmem>>, vector<16xf32>,
      tpu.vector_store %arg7[%swap3A_40], %broadcast_in_dim3A_3 {strides = array<i32>} : memref<16384xf32, #tpu.memory_space<vmem>>, vector<16xf32>,
      %scan3A_42 = arith.constant 0 : i32
      scf.yield %scan3A_42 : i32
    }
    %scan3A_14 = arith.constant 1024 : i32
    %scan3A_15 = arith.constant 0 : i32
    %scan3A_16 = arith.constant 0 : i32
    %scan3A_17 = arith.constant 16 : i32
    %scan3A_18 = arith.addi %scan3A_16, %scan3A_17 : i32
    %scan3A_19 = arith.constant 1 : i32
    %scan3A_20 = scf.for %scan3A_33 = %scan3A_16 to %scan3A_18 step %scan3A_19 iter_args(%scan3A_34 = %scan3A_15) -> (i32)  : i32 {
      %mul3A_35 = arith.constant 8192 : i32
      %mul3A_36 = arith.muli %scan3A_33, %mul3A_35 : i32
      %add3A_37 = arith.addi %mul3A_2, %mul3A_36 : i32
      "tpu.region"() ({
        %run_scoped3A = tpu.sem_alloc : memref<!tpu.dma_semaphore, #tpu.memory_space<semaphore_mem>>
        %dma_start3A = tpu.memref_slice %arg2[%add3A_37] : memref<4194304xi32, #tpu.memory_space<hbm>> -> memref<8192xi32, #tpu.memory_space<hbm>>
        %dma_start3A_46 = tpu.memref_slice %arg2[%add3A_37] : memref<4194304xi32, #tpu.memory_space<hbm>> -> memref<8192xi32, #tpu.memory_space<hbm>>
        tpu.enqueue_dma source(%dma_start3A_46 : memref<8192xi32, #tpu.memory_space<hbm>>) target(%arg5 : memref<8192xi32, #tpu.memory_space<vmem>>) target_semaphore(%run_scoped3A : memref<!tpu.dma_semaphore, #tpu.memory_space<semaphore_mem>>)
        %dma_wait3A = tpu.memref_slice %arg2[%add3A_37] : memref<4194304xi32, #tpu.memory_space<hbm>> -> memref<8192xi32, #tpu.memory_space<hbm>>
        %dma_wait3A_47 = tpu.memref_slice %arg2[%add3A_37] : memref<4194304xi32, #tpu.memory_space<hbm>> -> memref<8192xi32, #tpu.memory_space<hbm>>
        tpu.wait_dma2 semaphore(%run_scoped3A : memref<!tpu.dma_semaphore, #tpu.memory_space<semaphore_mem>>) src(%dma_wait3A_47 : memref<8192xi32, #tpu.memory_space<hbm>>) dst(%arg5 : memref<8192xi32, #tpu.memory_space<vmem>>)
        tpu.yield
      }) : () -> ()
      %scan3A_38 = arith.constant 0 : i32
      %scan3A_39 = arith.constant 0 : i32
      %scan3A_40 = arith.constant 512 : i32
      %scan3A_41 = arith.addi %scan3A_39, %scan3A_40 : i32
      %scan3A_42 = arith.constant 1 : i32
      %scan3A_43 = scf.for %scan3A_46 = %scan3A_39 to %scan3A_41 step %scan3A_42 iter_args(%scan3A_47 = %scan3A_38) -> (i32)  : i32 {
        %mul3A_48 = arith.constant 16 : i32
        %mul3A_49 = arith.muli %scan3A_46, %mul3A_48 : i32
        %get3A = arith.index_cast %mul3A_49 : i32 to index
        %get3A_50 = tpu.vector_load %arg5[%get3A] {strides = array<i32>} : memref<8192xi32, #tpu.memory_space<vmem>>, vector<16xi32>,
        %ge3A = arith.constant 0 : i32
        %ge3A_51 = vector.broadcast %ge3A : i32 to vector<16xi32>
        %ge3A_52 = arith.cmpi sge, %get3A_50, %ge3A_51 : vector<16xi32>
        %shift_right_arithmetic3A = arith.constant 21 : i32
        %shift_right_arithmetic3A_53 = vector.broadcast %shift_right_arithmetic3A : i32 to vector<16xi32>
        %shift_right_arithmetic3A_54 = arith.shrsi %get3A_50, %shift_right_arithmetic3A_53 : vector<16xi32>
        %and3A = arith.constant 1023 : i32
        %and3A_55 = vector.broadcast %and3A : i32 to vector<16xi32>
        %and3A_56 = arith.andi %shift_right_arithmetic3A_54, %and3A_55 : vector<16xi32>
        %jit3A = arith.constant 0 : i32
        %broadcast_in_dim3A_57 = vector.broadcast %jit3A : i32 to vector<16xi32>
        %select_n3A = arith.select %ge3A_52, %and3A_56, %broadcast_in_dim3A_57 : vector<16xi1>, vector<16xi32>
        %add3A_58 = arith.addi %mul3A_8, %select_n3A : vector<16xi32>
        tpu.vector_store_idx %arg6[%add3A_58], %broadcast_in_dim3A_5 masked %ge3A_52 {add = true} : memref<16384xf32, #tpu.memory_space<vmem>>[vector<16xi32>], vector<16xf32>, vector<16xi1>
        %bitcast3A = vector.bitcast %get3A_50 : vector<16xi32> to vector<16xf32>
        tpu.vector_store_idx %arg7[%add3A_58], %bitcast3A masked %ge3A_52 {add = true} : memref<16384xf32, #tpu.memory_space<vmem>>[vector<16xi32>], vector<16xf32>, vector<16xi1>
        %scan3A_59 = arith.constant 0 : i32
        scf.yield %scan3A_59 : i32
      }
      %scan3A_44 = arith.constant 512 : i32
      %scan3A_45 = arith.constant 0 : i32
      scf.yield %scan3A_45 : i32
    }
    %scan3A_21 = arith.constant 16 : i32
    %scan3A_22 = arith.constant 0 : i32
    %scan3A_23 = arith.constant 0 : i32
    %scan3A_24 = arith.constant 64 : i32
    %scan3A_25 = arith.addi %scan3A_23, %scan3A_24 : i32
    %scan3A_26 = arith.constant 1 : i32
    %scan3A_27 = scf.for %scan3A_33 = %scan3A_23 to %scan3A_25 step %scan3A_26 iter_args(%scan3A_34 = %scan3A_22) -> (i32)  : i32 {
      %mul3A_35 = arith.constant 16 : i32
      %mul3A_36 = arith.muli %scan3A_33, %mul3A_35 : i32
      %add3A_37 = arith.constant 0 : i32
      %add3A_38 = arith.addi %add3A_37, %mul3A_36 : i32
      %get3A = arith.index_cast %add3A_38 : i32 to index
      %get3A_39 = tpu.vector_load %arg6[%get3A] {strides = array<i32>} : memref<16384xf32, #tpu.memory_space<vmem>>, vector<16xf32>,
      %add3A_40 = arith.addf %broadcast_in_dim3A_3, %get3A_39 : vector<16xf32>
      %mul3A_41 = arith.constant 16 : i32
      %mul3A_42 = arith.muli %scan3A_33, %mul3A_41 : i32
      %add3A_43 = arith.constant 0 : i32
      %add3A_44 = arith.addi %add3A_43, %mul3A_42 : i32
      %get3A_45 = arith.index_cast %add3A_44 : i32 to index
      %get3A_46 = tpu.vector_load %arg7[%get3A_45] {strides = array<i32>} : memref<16384xf32, #tpu.memory_space<vmem>>, vector<16xf32>,
      %add3A_47 = arith.addf %broadcast_in_dim3A_3, %get3A_46 : vector<16xf32>
      %mul3A_48 = arith.constant 16 : i32
      %mul3A_49 = arith.muli %scan3A_33, %mul3A_48 : i32
      %add3A_50 = arith.constant 1024 : i32
      %add3A_51 = arith.addi %add3A_50, %mul3A_49 : i32
      %get3A_52 = arith.index_cast %add3A_51 : i32 to index
      %get3A_53 = tpu.vector_load %arg6[%get3A_52] {strides = array<i32>} : memref<16384xf32, #tpu.memory_space<vmem>>, vector<16xf32>,
      %add3A_54 = arith.addf %add3A_40, %get3A_53 : vector<16xf32>
      %mul3A_55 = arith.constant 16 : i32
      %mul3A_56 = arith.muli %scan3A_33, %mul3A_55 : i32
      %add3A_57 = arith.constant 1024 : i32
      %add3A_58 = arith.addi %add3A_57, %mul3A_56 : i32
      %get3A_59 = arith.index_cast %add3A_58 : i32 to index
      %get3A_60 = tpu.vector_load %arg7[%get3A_59] {strides = array<i32>} : memref<16384xf32, #tpu.memory_space<vmem>>, vector<16xf32>,
      %add3A_61 = arith.addf %add3A_47, %get3A_60 : vector<16xf32>
      %mul3A_62 = arith.constant 16 : i32
      %mul3A_63 = arith.muli %scan3A_33, %mul3A_62 : i32
      %add3A_64 = arith.constant 2048 : i32
      %add3A_65 = arith.addi %add3A_64, %mul3A_63 : i32
      %get3A_66 = arith.index_cast %add3A_65 : i32 to index
      %get3A_67 = tpu.vector_load %arg6[%get3A_66] {strides = array<i32>} : memref<16384xf32, #tpu.memory_space<vmem>>, vector<16xf32>,
      %add3A_68 = arith.addf %add3A_54, %get3A_67 : vector<16xf32>
      %mul3A_69 = arith.constant 16 : i32
      %mul3A_70 = arith.muli %scan3A_33, %mul3A_69 : i32
      %add3A_71 = arith.constant 2048 : i32
      %add3A_72 = arith.addi %add3A_71, %mul3A_70 : i32
      %get3A_73 = arith.index_cast %add3A_72 : i32 to index
      %get3A_74 = tpu.vector_load %arg7[%get3A_73] {strides = array<i32>} : memref<16384xf32, #tpu.memory_space<vmem>>, vector<16xf32>,
      %add3A_75 = arith.addf %add3A_61, %get3A_74 : vector<16xf32>
      %mul3A_76 = arith.constant 16 : i32
      %mul3A_77 = arith.muli %scan3A_33, %mul3A_76 : i32
      %add3A_78 = arith.constant 3072 : i32
      %add3A_79 = arith.addi %add3A_78, %mul3A_77 : i32
      %get3A_80 = arith.index_cast %add3A_79 : i32 to index
      %get3A_81 = tpu.vector_load %arg6[%get3A_80] {strides = array<i32>} : memref<16384xf32, #tpu.memory_space<vmem>>, vector<16xf32>,
      %add3A_82 = arith.addf %add3A_68, %get3A_81 : vector<16xf32>
      %mul3A_83 = arith.constant 16 : i32
      %mul3A_84 = arith.muli %scan3A_33, %mul3A_83 : i32
      %add3A_85 = arith.constant 3072 : i32
      %add3A_86 = arith.addi %add3A_85, %mul3A_84 : i32
      %get3A_87 = arith.index_cast %add3A_86 : i32 to index
      %get3A_88 = tpu.vector_load %arg7[%get3A_87] {strides = array<i32>} : memref<16384xf32, #tpu.memory_space<vmem>>, vector<16xf32>,
      %add3A_89 = arith.addf %add3A_75, %get3A_88 : vector<16xf32>
      %mul3A_90 = arith.constant 16 : i32
      %mul3A_91 = arith.muli %scan3A_33, %mul3A_90 : i32
      %add3A_92 = arith.constant 4096 : i32
      %add3A_93 = arith.addi %add3A_92, %mul3A_91 : i32
      %get3A_94 = arith.index_cast %add3A_93 : i32 to index
      %get3A_95 = tpu.vector_load %arg6[%get3A_94] {strides = array<i32>} : memref<16384xf32, #tpu.memory_space<vmem>>, vector<16xf32>,
      %add3A_96 = arith.addf %add3A_82, %get3A_95 : vector<16xf32>
      %mul3A_97 = arith.constant 16 : i32
      %mul3A_98 = arith.muli %scan3A_33, %mul3A_97 : i32
      %add3A_99 = arith.constant 4096 : i32
      %add3A_100 = arith.addi %add3A_99, %mul3A_98 : i32
      %get3A_101 = arith.index_cast %add3A_100 : i32 to index
      %get3A_102 = tpu.vector_load %arg7[%get3A_101] {strides = array<i32>} : memref<16384xf32, #tpu.memory_space<vmem>>, vector<16xf32>,
      %add3A_103 = arith.addf %add3A_89, %get3A_102 : vector<16xf32>
      %mul3A_104 = arith.constant 16 : i32
      %mul3A_105 = arith.muli %scan3A_33, %mul3A_104 : i32
      %add3A_106 = arith.constant 5120 : i32
      %add3A_107 = arith.addi %add3A_106, %mul3A_105 : i32
      %get3A_108 = arith.index_cast %add3A_107 : i32 to index
      %get3A_109 = tpu.vector_load %arg6[%get3A_108] {strides = array<i32>} : memref<16384xf32, #tpu.memory_space<vmem>>, vector<16xf32>,
      %add3A_110 = arith.addf %add3A_96, %get3A_109 : vector<16xf32>
      %mul3A_111 = arith.constant 16 : i32
      %mul3A_112 = arith.muli %scan3A_33, %mul3A_111 : i32
      %add3A_113 = arith.constant 5120 : i32
      %add3A_114 = arith.addi %add3A_113, %mul3A_112 : i32
      %get3A_115 = arith.index_cast %add3A_114 : i32 to index
      %get3A_116 = tpu.vector_load %arg7[%get3A_115] {strides = array<i32>} : memref<16384xf32, #tpu.memory_space<vmem>>, vector<16xf32>,
      %add3A_117 = arith.addf %add3A_103, %get3A_116 : vector<16xf32>
      %mul3A_118 = arith.constant 16 : i32
      %mul3A_119 = arith.muli %scan3A_33, %mul3A_118 : i32
      %add3A_120 = arith.constant 6144 : i32
      %add3A_121 = arith.addi %add3A_120, %mul3A_119 : i32
      %get3A_122 = arith.index_cast %add3A_121 : i32 to index
      %get3A_123 = tpu.vector_load %arg6[%get3A_122] {strides = array<i32>} : memref<16384xf32, #tpu.memory_space<vmem>>, vector<16xf32>,
      %add3A_124 = arith.addf %add3A_110, %get3A_123 : vector<16xf32>
      %mul3A_125 = arith.constant 16 : i32
      %mul3A_126 = arith.muli %scan3A_33, %mul3A_125 : i32
      %add3A_127 = arith.constant 6144 : i32
      %add3A_128 = arith.addi %add3A_127, %mul3A_126 : i32
      %get3A_129 = arith.index_cast %add3A_128 : i32 to index
      %get3A_130 = tpu.vector_load %arg7[%get3A_129] {strides = array<i32>} : memref<16384xf32, #tpu.memory_space<vmem>>, vector<16xf32>,
      %add3A_131 = arith.addf %add3A_117, %get3A_130 : vector<16xf32>
      %mul3A_132 = arith.constant 16 : i32
      %mul3A_133 = arith.muli %scan3A_33, %mul3A_132 : i32
      %add3A_134 = arith.constant 7168 : i32
      %add3A_135 = arith.addi %add3A_134, %mul3A_133 : i32
      %get3A_136 = arith.index_cast %add3A_135 : i32 to index
      %get3A_137 = tpu.vector_load %arg6[%get3A_136] {strides = array<i32>} : memref<16384xf32, #tpu.memory_space<vmem>>, vector<16xf32>,
      %add3A_138 = arith.addf %add3A_124, %get3A_137 : vector<16xf32>
      %mul3A_139 = arith.constant 16 : i32
      %mul3A_140 = arith.muli %scan3A_33, %mul3A_139 : i32
      %add3A_141 = arith.constant 7168 : i32
      %add3A_142 = arith.addi %add3A_141, %mul3A_140 : i32
      %get3A_143 = arith.index_cast %add3A_142 : i32 to index
      %get3A_144 = tpu.vector_load %arg7[%get3A_143] {strides = array<i32>} : memref<16384xf32, #tpu.memory_space<vmem>>, vector<16xf32>,
      %add3A_145 = arith.addf %add3A_131, %get3A_144 : vector<16xf32>
      %mul3A_146 = arith.constant 16 : i32
      %mul3A_147 = arith.muli %scan3A_33, %mul3A_146 : i32
      %add3A_148 = arith.constant 8192 : i32
      %add3A_149 = arith.addi %add3A_148, %mul3A_147 : i32
      %get3A_150 = arith.index_cast %add3A_149 : i32 to index
      %get3A_151 = tpu.vector_load %arg6[%get3A_150] {strides = array<i32>} : memref<16384xf32, #tpu.memory_space<vmem>>, vector<16xf32>,
      %add3A_152 = arith.addf %add3A_138, %get3A_151 : vector<16xf32>
      %mul3A_153 = arith.constant 16 : i32
      %mul3A_154 = arith.muli %scan3A_33, %mul3A_153 : i32
      %add3A_155 = arith.constant 8192 : i32
      %add3A_156 = arith.addi %add3A_155, %mul3A_154 : i32
      %get3A_157 = arith.index_cast %add3A_156 : i32 to index
      %get3A_158 = tpu.vector_load %arg7[%get3A_157] {strides = array<i32>} : memref<16384xf32, #tpu.memory_space<vmem>>, vector<16xf32>,
      %add3A_159 = arith.addf %add3A_145, %get3A_158 : vector<16xf32>
      %mul3A_160 = arith.constant 16 : i32
      %mul3A_161 = arith.muli %scan3A_33, %mul3A_160 : i32
      %add3A_162 = arith.constant 9216 : i32
      %add3A_163 = arith.addi %add3A_162, %mul3A_161 : i32
      %get3A_164 = arith.index_cast %add3A_163 : i32 to index
      %get3A_165 = tpu.vector_load %arg6[%get3A_164] {strides = array<i32>} : memref<16384xf32, #tpu.memory_space<vmem>>, vector<16xf32>,
      %add3A_166 = arith.addf %add3A_152, %get3A_165 : vector<16xf32>
      %mul3A_167 = arith.constant 16 : i32
      %mul3A_168 = arith.muli %scan3A_33, %mul3A_167 : i32
      %add3A_169 = arith.constant 9216 : i32
      %add3A_170 = arith.addi %add3A_169, %mul3A_168 : i32
      %get3A_171 = arith.index_cast %add3A_170 : i32 to index
      %get3A_172 = tpu.vector_load %arg7[%get3A_171] {strides = array<i32>} : memref<16384xf32, #tpu.memory_space<vmem>>, vector<16xf32>,
      %add3A_173 = arith.addf %add3A_159, %get3A_172 : vector<16xf32>
      %mul3A_174 = arith.constant 16 : i32
      %mul3A_175 = arith.muli %scan3A_33, %mul3A_174 : i32
      %add3A_176 = arith.constant 10240 : i32
      %add3A_177 = arith.addi %add3A_176, %mul3A_175 : i32
      %get3A_178 = arith.index_cast %add3A_177 : i32 to index
      %get3A_179 = tpu.vector_load %arg6[%get3A_178] {strides = array<i32>} : memref<16384xf32, #tpu.memory_space<vmem>>, vector<16xf32>,
      %add3A_180 = arith.addf %add3A_166, %get3A_179 : vector<16xf32>
      %mul3A_181 = arith.constant 16 : i32
      %mul3A_182 = arith.muli %scan3A_33, %mul3A_181 : i32
      %add3A_183 = arith.constant 10240 : i32
      %add3A_184 = arith.addi %add3A_183, %mul3A_182 : i32
      %get3A_185 = arith.index_cast %add3A_184 : i32 to index
      %get3A_186 = tpu.vector_load %arg7[%get3A_185] {strides = array<i32>} : memref<16384xf32, #tpu.memory_space<vmem>>, vector<16xf32>,
      %add3A_187 = arith.addf %add3A_173, %get3A_186 : vector<16xf32>
      %mul3A_188 = arith.constant 16 : i32
      %mul3A_189 = arith.muli %scan3A_33, %mul3A_188 : i32
      %add3A_190 = arith.constant 11264 : i32
      %add3A_191 = arith.addi %add3A_190, %mul3A_189 : i32
      %get3A_192 = arith.index_cast %add3A_191 : i32 to index
      %get3A_193 = tpu.vector_load %arg6[%get3A_192] {strides = array<i32>} : memref<16384xf32, #tpu.memory_space<vmem>>, vector<16xf32>,
      %add3A_194 = arith.addf %add3A_180, %get3A_193 : vector<16xf32>
      %mul3A_195 = arith.constant 16 : i32
      %mul3A_196 = arith.muli %scan3A_33, %mul3A_195 : i32
      %add3A_197 = arith.constant 11264 : i32
      %add3A_198 = arith.addi %add3A_197, %mul3A_196 : i32
      %get3A_199 = arith.index_cast %add3A_198 : i32 to index
      %get3A_200 = tpu.vector_load %arg7[%get3A_199] {strides = array<i32>} : memref<16384xf32, #tpu.memory_space<vmem>>, vector<16xf32>,
      %add3A_201 = arith.addf %add3A_187, %get3A_200 : vector<16xf32>
      %mul3A_202 = arith.constant 16 : i32
      %mul3A_203 = arith.muli %scan3A_33, %mul3A_202 : i32
      %add3A_204 = arith.constant 12288 : i32
      %add3A_205 = arith.addi %add3A_204, %mul3A_203 : i32
      %get3A_206 = arith.index_cast %add3A_205 : i32 to index
      %get3A_207 = tpu.vector_load %arg6[%get3A_206] {strides = array<i32>} : memref<16384xf32, #tpu.memory_space<vmem>>, vector<16xf32>,
      %add3A_208 = arith.addf %add3A_194, %get3A_207 : vector<16xf32>
      %mul3A_209 = arith.constant 16 : i32
      %mul3A_210 = arith.muli %scan3A_33, %mul3A_209 : i32
      %add3A_211 = arith.constant 12288 : i32
      %add3A_212 = arith.addi %add3A_211, %mul3A_210 : i32
      %get3A_213 = arith.index_cast %add3A_212 : i32 to index
      %get3A_214 = tpu.vector_load %arg7[%get3A_213] {strides = array<i32>} : memref<16384xf32, #tpu.memory_space<vmem>>, vector<16xf32>,
      %add3A_215 = arith.addf %add3A_201, %get3A_214 : vector<16xf32>
      %mul3A_216 = arith.constant 16 : i32
      %mul3A_217 = arith.muli %scan3A_33, %mul3A_216 : i32
      %add3A_218 = arith.constant 13312 : i32
      %add3A_219 = arith.addi %add3A_218, %mul3A_217 : i32
      %get3A_220 = arith.index_cast %add3A_219 : i32 to index
      %get3A_221 = tpu.vector_load %arg6[%get3A_220] {strides = array<i32>} : memref<16384xf32, #tpu.memory_space<vmem>>, vector<16xf32>,
      %add3A_222 = arith.addf %add3A_208, %get3A_221 : vector<16xf32>
      %mul3A_223 = arith.constant 16 : i32
      %mul3A_224 = arith.muli %scan3A_33, %mul3A_223 : i32
      %add3A_225 = arith.constant 13312 : i32
      %add3A_226 = arith.addi %add3A_225, %mul3A_224 : i32
      %get3A_227 = arith.index_cast %add3A_226 : i32 to index
      %get3A_228 = tpu.vector_load %arg7[%get3A_227] {strides = array<i32>} : memref<16384xf32, #tpu.memory_space<vmem>>, vector<16xf32>,
      %add3A_229 = arith.addf %add3A_215, %get3A_228 : vector<16xf32>
      %mul3A_230 = arith.constant 16 : i32
      %mul3A_231 = arith.muli %scan3A_33, %mul3A_230 : i32
      %add3A_232 = arith.constant 14336 : i32
      %add3A_233 = arith.addi %add3A_232, %mul3A_231 : i32
      %get3A_234 = arith.index_cast %add3A_233 : i32 to index
      %get3A_235 = tpu.vector_load %arg6[%get3A_234] {strides = array<i32>} : memref<16384xf32, #tpu.memory_space<vmem>>, vector<16xf32>,
      %add3A_236 = arith.addf %add3A_222, %get3A_235 : vector<16xf32>
      %mul3A_237 = arith.constant 16 : i32
      %mul3A_238 = arith.muli %scan3A_33, %mul3A_237 : i32
      %add3A_239 = arith.constant 14336 : i32
      %add3A_240 = arith.addi %add3A_239, %mul3A_238 : i32
      %get3A_241 = arith.index_cast %add3A_240 : i32 to index
      %get3A_242 = tpu.vector_load %arg7[%get3A_241] {strides = array<i32>} : memref<16384xf32, #tpu.memory_space<vmem>>, vector<16xf32>,
      %add3A_243 = arith.addf %add3A_229, %get3A_242 : vector<16xf32>
      %mul3A_244 = arith.constant 16 : i32
      %mul3A_245 = arith.muli %scan3A_33, %mul3A_244 : i32
      %add3A_246 = arith.constant 15360 : i32
      %add3A_247 = arith.addi %add3A_246, %mul3A_245 : i32
      %get3A_248 = arith.index_cast %add3A_247 : i32 to index
      %get3A_249 = tpu.vector_load %arg6[%get3A_248] {strides = array<i32>} : memref<16384xf32, #tpu.memory_space<vmem>>, vector<16xf32>,
      %add3A_250 = arith.addf %add3A_236, %get3A_249 : vector<16xf32>
      %mul3A_251 = arith.constant 16 : i32
      %mul3A_252 = arith.muli %scan3A_33, %mul3A_251 : i32
      %add3A_253 = arith.constant 15360 : i32
      %add3A_254 = arith.addi %add3A_253, %mul3A_252 : i32
      %get3A_255 = arith.index_cast %add3A_254 : i32 to index
      %get3A_256 = tpu.vector_load %arg7[%get3A_255] {strides = array<i32>} : memref<16384xf32, #tpu.memory_space<vmem>>, vector<16xf32>,
      %add3A_257 = arith.addf %add3A_243, %get3A_256 : vector<16xf32>
      %mul3A_258 = arith.constant 16 : i32
      %mul3A_259 = arith.muli %scan3A_33, %mul3A_258 : i32
      %swap3A = arith.index_cast %mul3A_259 : i32 to index
      %swap3A_260 = tpu.vector_load %arg8[%swap3A] {strides = array<i32>} : memref<1024xf32, #tpu.memory_space<vmem>>, vector<16xf32>,
      tpu.vector_store %arg8[%swap3A], %add3A_250 {strides = array<i32>} : memref<1024xf32, #tpu.memory_space<vmem>>, vector<16xf32>,
      %mul3A_261 = arith.constant 16 : i32
      %mul3A_262 = arith.muli %scan3A_33, %mul3A_261 : i32
      %swap3A_263 = arith.index_cast %mul3A_262 : i32 to index
      %swap3A_264 = tpu.vector_load %arg9[%swap3A_263] {strides = array<i32>} : memref<1024xf32, #tpu.memory_space<vmem>>, vector<16xf32>,
      tpu.vector_store %arg9[%swap3A_263], %add3A_257 {strides = array<i32>} : memref<1024xf32, #tpu.memory_space<vmem>>, vector<16xf32>,
      %scan3A_265 = arith.constant 0 : i32
      scf.yield %scan3A_265 : i32
    }
    %scan3A_28 = arith.constant 64 : i32
    %mul3A_29 = arith.constant 1024 : i32
    %mul3A_30 = arith.muli %add3A, %mul3A_29 : i32
    "tpu.region"() ({
      %run_scoped3A = tpu.sem_alloc : memref<!tpu.dma_semaphore, #tpu.memory_space<semaphore_mem>>
      %dma_start3A = tpu.memref_slice %arg3[%mul3A_30] : memref<32768xf32, #tpu.memory_space<hbm>> -> memref<1024xf32, #tpu.memory_space<hbm>>
      %dma_start3A_33 = tpu.memref_slice %arg3[%mul3A_30] : memref<32768xf32, #tpu.memory_space<hbm>> -> memref<1024xf32, #tpu.memory_space<hbm>>
      tpu.enqueue_dma source(%arg8 : memref<1024xf32, #tpu.memory_space<vmem>>) target(%dma_start3A_33 : memref<1024xf32, #tpu.memory_space<hbm>>) target_semaphore(%run_scoped3A : memref<!tpu.dma_semaphore, #tpu.memory_space<semaphore_mem>>)
      %dma_wait3A = tpu.memref_slice %arg3[%mul3A_30] : memref<32768xf32, #tpu.memory_space<hbm>> -> memref<1024xf32, #tpu.memory_space<hbm>>
      %dma_wait3A_34 = tpu.memref_slice %arg3[%mul3A_30] : memref<32768xf32, #tpu.memory_space<hbm>> -> memref<1024xf32, #tpu.memory_space<hbm>>
      tpu.wait_dma2 semaphore(%run_scoped3A : memref<!tpu.dma_semaphore, #tpu.memory_space<semaphore_mem>>) src(%arg8 : memref<1024xf32, #tpu.memory_space<vmem>>) dst(%dma_wait3A_34 : memref<1024xf32, #tpu.memory_space<hbm>>)
      tpu.yield
    }) : () -> ()
    %mul3A_31 = arith.constant 1024 : i32
    %mul3A_32 = arith.muli %add3A, %mul3A_31 : i32
    "tpu.region"() ({
      %run_scoped3A = tpu.sem_alloc : memref<!tpu.dma_semaphore, #tpu.memory_space<semaphore_mem>>
      %dma_start3A = tpu.memref_slice %arg4[%mul3A_32] : memref<32768xf32, #tpu.memory_space<hbm>> -> memref<1024xf32, #tpu.memory_space<hbm>>
      %dma_start3A_33 = tpu.memref_slice %arg4[%mul3A_32] : memref<32768xf32, #tpu.memory_space<hbm>> -> memref<1024xf32, #tpu.memory_space<hbm>>
      tpu.enqueue_dma source(%arg9 : memref<1024xf32, #tpu.memory_space<vmem>>) target(%dma_start3A_33 : memref<1024xf32, #tpu.memory_space<hbm>>) target_semaphore(%run_scoped3A : memref<!tpu.dma_semaphore, #tpu.memory_space<semaphore_mem>>)
      %dma_wait3A = tpu.memref_slice %arg4[%mul3A_32] : memref<32768xf32, #tpu.memory_space<hbm>> -> memref<1024xf32, #tpu.memory_space<hbm>>
      %dma_wait3A_34 = tpu.memref_slice %arg4[%mul3A_32] : memref<32768xf32, #tpu.memory_space<hbm>> -> memref<1024xf32, #tpu.memory_space<hbm>>
      tpu.wait_dma2 semaphore(%run_scoped3A : memref<!tpu.dma_semaphore, #tpu.memory_space<semaphore_mem>>) src(%arg9 : memref<1024xf32, #tpu.memory_space<vmem>>) dst(%dma_wait3A_34 : memref<1024xf32, #tpu.memory_space<hbm>>)
      tpu.yield
    }) : () -> ()
    return
  }
}

#map = affine_map<(d0, d1) -> (0)>
module attributes {stable_mosaic.version = 14 : i64} {
  func.func @_sc_l1_body(%arg0: i32, %arg1: i32, %arg2: memref<4194304xi32, #tpu.memory_space<hbm>>, %arg3: memref<16xi32, #tpu.memory_space<hbm>>, %arg4: memref<65536xf32, #tpu.memory_space<hbm>>, %arg5: memref<65536xf32, #tpu.memory_space<hbm>>, %arg6: memref<8192xi32, #tpu.memory_space<vmem>>, %arg7: memref<16xi32, #tpu.memory_space<vmem>>, %arg8: memref<32768xf32, #tpu.memory_space<vmem>>, %arg9: memref<32768xf32, #tpu.memory_space<vmem>>, %arg10: memref<2048xf32, #tpu.memory_space<vmem>>, %arg11: memref<2048xf32, #tpu.memory_space<vmem>>) attributes {dimension_semantics = [#tpu.dimension_semantics<core_parallel>, #tpu.dimension_semantics<subcore_parallel>], iteration_bounds = array<i64: 2, 16>, scalar_prefetch = 0 : i64, scratch_operands = 6 : i64, tpu.core_type = #tpu.core_type<sc_vector_subcore>, window_params = [{transform_indices = #map}, {transform_indices = #map}, {transform_indices = #map}, {transform_indices = #map}]} {
    "tpu.region"() ({
      %run_scoped3A = tpu.sem_alloc : memref<!tpu.dma_semaphore, #tpu.memory_space<semaphore_mem>>
      tpu.enqueue_dma source(%arg3 : memref<16xi32, #tpu.memory_space<hbm>>) target(%arg7 : memref<16xi32, #tpu.memory_space<vmem>>) target_semaphore(%run_scoped3A : memref<!tpu.dma_semaphore, #tpu.memory_space<semaphore_mem>>)
      tpu.wait_dma2 semaphore(%run_scoped3A : memref<!tpu.dma_semaphore, #tpu.memory_space<semaphore_mem>>) src(%arg3 : memref<16xi32, #tpu.memory_space<hbm>>) dst(%arg7 : memref<16xi32, #tpu.memory_space<vmem>>)
      tpu.yield
    }) : () -> ()
    %get3A = arith.constant 0 : index
    %get3A_0 = tpu.vector_load %arg7[%get3A] {strides = array<i32>} : memref<16xi32, #tpu.memory_space<vmem>>, vector<16xi32>,
    %mul3A = arith.constant 2 : i32
    %mul3A_1 = arith.muli %arg1, %mul3A : i32
    %add3A = arith.addi %mul3A_1, %arg0 : i32
    %mul3A_2 = arith.constant 131072 : i32
    %mul3A_3 = arith.muli %add3A, %mul3A_2 : i32
    %broadcast_in_dim3A = arith.constant 0.000000e+00 : f32
    %broadcast_in_dim3A_4 = vector.broadcast %broadcast_in_dim3A : f32 to vector<16xf32>
    %broadcast_in_dim3A_5 = arith.constant 1.000000e+00 : f32
    %broadcast_in_dim3A_6 = vector.broadcast %broadcast_in_dim3A_5 : f32 to vector<16xf32>
    %iota3A = tpu.iota {dimensions = array<i32: 0>} : vector<16xi32>
    %mul3A_7 = arith.constant 2048 : i32
    %mul3A_8 = vector.broadcast %mul3A_7 : i32 to vector<16xi32>
    %mul3A_9 = arith.muli %iota3A, %mul3A_8 : vector<16xi32>
    %scan3A = arith.constant 0 : i32
    %scan3A_10 = arith.constant 0 : i32
    %scan3A_11 = arith.constant 2048 : i32
    %scan3A_12 = arith.addi %scan3A_10, %scan3A_11 : i32
    %scan3A_13 = arith.constant 1 : i32
    %scan3A_14 = scf.for %scan3A_34 = %scan3A_10 to %scan3A_12 step %scan3A_13 iter_args(%scan3A_35 = %scan3A) -> (i32)  : i32 {
      %mul3A_36 = arith.constant 16 : i32
      %mul3A_37 = arith.muli %scan3A_34, %mul3A_36 : i32
      %swap3A = arith.index_cast %mul3A_37 : i32 to index
      %swap3A_38 = tpu.vector_load %arg8[%swap3A] {strides = array<i32>} : memref<32768xf32, #tpu.memory_space<vmem>>, vector<16xf32>,
      tpu.vector_store %arg8[%swap3A], %broadcast_in_dim3A_4 {strides = array<i32>} : memref<32768xf32, #tpu.memory_space<vmem>>, vector<16xf32>,
      %mul3A_39 = arith.constant 16 : i32
      %mul3A_40 = arith.muli %scan3A_34, %mul3A_39 : i32
      %swap3A_41 = arith.index_cast %mul3A_40 : i32 to index
      %swap3A_42 = tpu.vector_load %arg9[%swap3A_41] {strides = array<i32>} : memref<32768xf32, #tpu.memory_space<vmem>>, vector<16xf32>,
      tpu.vector_store %arg9[%swap3A_41], %broadcast_in_dim3A_4 {strides = array<i32>} : memref<32768xf32, #tpu.memory_space<vmem>>, vector<16xf32>,
      %scan3A_43 = arith.constant 0 : i32
      scf.yield %scan3A_43 : i32
    }
    %scan3A_15 = arith.constant 2048 : i32
    %scan3A_16 = arith.constant 0 : i32
    %scan3A_17 = arith.constant 0 : i32
    %scan3A_18 = arith.constant 16 : i32
    %scan3A_19 = arith.addi %scan3A_17, %scan3A_18 : i32
    %scan3A_20 = arith.constant 1 : i32
    %scan3A_21 = scf.for %scan3A_34 = %scan3A_17 to %scan3A_19 step %scan3A_20 iter_args(%scan3A_35 = %scan3A_16) -> (i32)  : i32 {
      %mul3A_36 = arith.constant 8192 : i32
      %mul3A_37 = arith.muli %scan3A_34, %mul3A_36 : i32
      %add3A_38 = arith.addi %mul3A_3, %mul3A_37 : i32
      "tpu.region"() ({
        %run_scoped3A = tpu.sem_alloc : memref<!tpu.dma_semaphore, #tpu.memory_space<semaphore_mem>>
        %dma_start3A = tpu.memref_slice %arg2[%add3A_38] : memref<4194304xi32, #tpu.memory_space<hbm>> -> memref<8192xi32, #tpu.memory_space<hbm>>
        %dma_start3A_47 = tpu.memref_slice %arg2[%add3A_38] : memref<4194304xi32, #tpu.memory_space<hbm>> -> memref<8192xi32, #tpu.memory_space<hbm>>
        tpu.enqueue_dma source(%dma_start3A_47 : memref<8192xi32, #tpu.memory_space<hbm>>) target(%arg6 : memref<8192xi32, #tpu.memory_space<vmem>>) target_semaphore(%run_scoped3A : memref<!tpu.dma_semaphore, #tpu.memory_space<semaphore_mem>>)
        %dma_wait3A = tpu.memref_slice %arg2[%add3A_38] : memref<4194304xi32, #tpu.memory_space<hbm>> -> memref<8192xi32, #tpu.memory_space<hbm>>
        %dma_wait3A_48 = tpu.memref_slice %arg2[%add3A_38] : memref<4194304xi32, #tpu.memory_space<hbm>> -> memref<8192xi32, #tpu.memory_space<hbm>>
        tpu.wait_dma2 semaphore(%run_scoped3A : memref<!tpu.dma_semaphore, #tpu.memory_space<semaphore_mem>>) src(%dma_wait3A_48 : memref<8192xi32, #tpu.memory_space<hbm>>) dst(%arg6 : memref<8192xi32, #tpu.memory_space<vmem>>)
        tpu.yield
      }) : () -> ()
      %scan3A_39 = arith.constant 0 : i32
      %scan3A_40 = arith.constant 0 : i32
      %scan3A_41 = arith.constant 512 : i32
      %scan3A_42 = arith.addi %scan3A_40, %scan3A_41 : i32
      %scan3A_43 = arith.constant 1 : i32
      %scan3A_44 = scf.for %scan3A_47 = %scan3A_40 to %scan3A_42 step %scan3A_43 iter_args(%scan3A_48 = %scan3A_39) -> (i32)  : i32 {
        %mul3A_49 = arith.constant 16 : i32
        %mul3A_50 = arith.muli %scan3A_47, %mul3A_49 : i32
        %get3A_51 = arith.index_cast %mul3A_50 : i32 to index
        %get3A_52 = tpu.vector_load %arg6[%get3A_51] {strides = array<i32>} : memref<8192xi32, #tpu.memory_space<vmem>>, vector<16xi32>,
        %ge3A = arith.constant 0 : i32
        %ge3A_53 = vector.broadcast %ge3A : i32 to vector<16xi32>
        %ge3A_54 = arith.cmpi sge, %get3A_52, %ge3A_53 : vector<16xi32>
        %shift_right_arithmetic3A = arith.constant 21 : i32
        %shift_right_arithmetic3A_55 = vector.broadcast %shift_right_arithmetic3A : i32 to vector<16xi32>
        %shift_right_arithmetic3A_56 = arith.shrsi %get3A_52, %shift_right_arithmetic3A_55 : vector<16xi32>
        %eq3A = arith.cmpi eq, %shift_right_arithmetic3A_56, %get3A_0 : vector<16xi32>
        %and3A = arith.andi %ge3A_54, %eq3A : vector<16xi1>
        %shift_right_arithmetic3A_57 = arith.constant 10 : i32
        %shift_right_arithmetic3A_58 = vector.broadcast %shift_right_arithmetic3A_57 : i32 to vector<16xi32>
        %shift_right_arithmetic3A_59 = arith.shrsi %get3A_52, %shift_right_arithmetic3A_58 : vector<16xi32>
        %and3A_60 = arith.constant 2047 : i32
        %and3A_61 = vector.broadcast %and3A_60 : i32 to vector<16xi32>
        %and3A_62 = arith.andi %shift_right_arithmetic3A_59, %and3A_61 : vector<16xi32>
        %jit3A = arith.constant 0 : i32
        %broadcast_in_dim3A_63 = vector.broadcast %jit3A : i32 to vector<16xi32>
        %select_n3A = arith.select %and3A, %and3A_62, %broadcast_in_dim3A_63 : vector<16xi1>, vector<16xi32>
        %add3A_64 = arith.addi %mul3A_9, %select_n3A : vector<16xi32>
        tpu.vector_store_idx %arg8[%add3A_64], %broadcast_in_dim3A_6 masked %and3A {add = true} : memref<32768xf32, #tpu.memory_space<vmem>>[vector<16xi32>], vector<16xf32>, vector<16xi1>
        %bitcast3A = vector.bitcast %get3A_52 : vector<16xi32> to vector<16xf32>
        tpu.vector_store_idx %arg9[%add3A_64], %bitcast3A masked %and3A {add = true} : memref<32768xf32, #tpu.memory_space<vmem>>[vector<16xi32>], vector<16xf32>, vector<16xi1>
        %scan3A_65 = arith.constant 0 : i32
        scf.yield %scan3A_65 : i32
      }
      %scan3A_45 = arith.constant 512 : i32
      %scan3A_46 = arith.constant 0 : i32
      scf.yield %scan3A_46 : i32
    }
    %scan3A_22 = arith.constant 16 : i32
    %scan3A_23 = arith.constant 0 : i32
    %scan3A_24 = arith.constant 0 : i32
    %scan3A_25 = arith.constant 128 : i32
    %scan3A_26 = arith.addi %scan3A_24, %scan3A_25 : i32
    %scan3A_27 = arith.constant 1 : i32
    %scan3A_28 = scf.for %scan3A_34 = %scan3A_24 to %scan3A_26 step %scan3A_27 iter_args(%scan3A_35 = %scan3A_23) -> (i32)  : i32 {
      %mul3A_36 = arith.constant 16 : i32
      %mul3A_37 = arith.muli %scan3A_34, %mul3A_36 : i32
      %add3A_38 = arith.constant 0 : i32
      %add3A_39 = arith.addi %add3A_38, %mul3A_37 : i32
      %get3A_40 = arith.index_cast %add3A_39 : i32 to index
      %get3A_41 = tpu.vector_load %arg8[%get3A_40] {strides = array<i32>} : memref<32768xf32, #tpu.memory_space<vmem>>, vector<16xf32>,
      %add3A_42 = arith.addf %broadcast_in_dim3A_4, %get3A_41 : vector<16xf32>
      %mul3A_43 = arith.constant 16 : i32
      %mul3A_44 = arith.muli %scan3A_34, %mul3A_43 : i32
      %add3A_45 = arith.constant 0 : i32
      %add3A_46 = arith.addi %add3A_45, %mul3A_44 : i32
      %get3A_47 = arith.index_cast %add3A_46 : i32 to index
      %get3A_48 = tpu.vector_load %arg9[%get3A_47] {strides = array<i32>} : memref<32768xf32, #tpu.memory_space<vmem>>, vector<16xf32>,
      %add3A_49 = arith.addf %broadcast_in_dim3A_4, %get3A_48 : vector<16xf32>
      %mul3A_50 = arith.constant 16 : i32
      %mul3A_51 = arith.muli %scan3A_34, %mul3A_50 : i32
      %add3A_52 = arith.constant 2048 : i32
      %add3A_53 = arith.addi %add3A_52, %mul3A_51 : i32
      %get3A_54 = arith.index_cast %add3A_53 : i32 to index
      %get3A_55 = tpu.vector_load %arg8[%get3A_54] {strides = array<i32>} : memref<32768xf32, #tpu.memory_space<vmem>>, vector<16xf32>,
      %add3A_56 = arith.addf %add3A_42, %get3A_55 : vector<16xf32>
      %mul3A_57 = arith.constant 16 : i32
      %mul3A_58 = arith.muli %scan3A_34, %mul3A_57 : i32
      %add3A_59 = arith.constant 2048 : i32
      %add3A_60 = arith.addi %add3A_59, %mul3A_58 : i32
      %get3A_61 = arith.index_cast %add3A_60 : i32 to index
      %get3A_62 = tpu.vector_load %arg9[%get3A_61] {strides = array<i32>} : memref<32768xf32, #tpu.memory_space<vmem>>, vector<16xf32>,
      %add3A_63 = arith.addf %add3A_49, %get3A_62 : vector<16xf32>
      %mul3A_64 = arith.constant 16 : i32
      %mul3A_65 = arith.muli %scan3A_34, %mul3A_64 : i32
      %add3A_66 = arith.constant 4096 : i32
      %add3A_67 = arith.addi %add3A_66, %mul3A_65 : i32
      %get3A_68 = arith.index_cast %add3A_67 : i32 to index
      %get3A_69 = tpu.vector_load %arg8[%get3A_68] {strides = array<i32>} : memref<32768xf32, #tpu.memory_space<vmem>>, vector<16xf32>,
      %add3A_70 = arith.addf %add3A_56, %get3A_69 : vector<16xf32>
      %mul3A_71 = arith.constant 16 : i32
      %mul3A_72 = arith.muli %scan3A_34, %mul3A_71 : i32
      %add3A_73 = arith.constant 4096 : i32
      %add3A_74 = arith.addi %add3A_73, %mul3A_72 : i32
      %get3A_75 = arith.index_cast %add3A_74 : i32 to index
      %get3A_76 = tpu.vector_load %arg9[%get3A_75] {strides = array<i32>} : memref<32768xf32, #tpu.memory_space<vmem>>, vector<16xf32>,
      %add3A_77 = arith.addf %add3A_63, %get3A_76 : vector<16xf32>
      %mul3A_78 = arith.constant 16 : i32
      %mul3A_79 = arith.muli %scan3A_34, %mul3A_78 : i32
      %add3A_80 = arith.constant 6144 : i32
      %add3A_81 = arith.addi %add3A_80, %mul3A_79 : i32
      %get3A_82 = arith.index_cast %add3A_81 : i32 to index
      %get3A_83 = tpu.vector_load %arg8[%get3A_82] {strides = array<i32>} : memref<32768xf32, #tpu.memory_space<vmem>>, vector<16xf32>,
      %add3A_84 = arith.addf %add3A_70, %get3A_83 : vector<16xf32>
      %mul3A_85 = arith.constant 16 : i32
      %mul3A_86 = arith.muli %scan3A_34, %mul3A_85 : i32
      %add3A_87 = arith.constant 6144 : i32
      %add3A_88 = arith.addi %add3A_87, %mul3A_86 : i32
      %get3A_89 = arith.index_cast %add3A_88 : i32 to index
      %get3A_90 = tpu.vector_load %arg9[%get3A_89] {strides = array<i32>} : memref<32768xf32, #tpu.memory_space<vmem>>, vector<16xf32>,
      %add3A_91 = arith.addf %add3A_77, %get3A_90 : vector<16xf32>
      %mul3A_92 = arith.constant 16 : i32
      %mul3A_93 = arith.muli %scan3A_34, %mul3A_92 : i32
      %add3A_94 = arith.constant 8192 : i32
      %add3A_95 = arith.addi %add3A_94, %mul3A_93 : i32
      %get3A_96 = arith.index_cast %add3A_95 : i32 to index
      %get3A_97 = tpu.vector_load %arg8[%get3A_96] {strides = array<i32>} : memref<32768xf32, #tpu.memory_space<vmem>>, vector<16xf32>,
      %add3A_98 = arith.addf %add3A_84, %get3A_97 : vector<16xf32>
      %mul3A_99 = arith.constant 16 : i32
      %mul3A_100 = arith.muli %scan3A_34, %mul3A_99 : i32
      %add3A_101 = arith.constant 8192 : i32
      %add3A_102 = arith.addi %add3A_101, %mul3A_100 : i32
      %get3A_103 = arith.index_cast %add3A_102 : i32 to index
      %get3A_104 = tpu.vector_load %arg9[%get3A_103] {strides = array<i32>} : memref<32768xf32, #tpu.memory_space<vmem>>, vector<16xf32>,
      %add3A_105 = arith.addf %add3A_91, %get3A_104 : vector<16xf32>
      %mul3A_106 = arith.constant 16 : i32
      %mul3A_107 = arith.muli %scan3A_34, %mul3A_106 : i32
      %add3A_108 = arith.constant 10240 : i32
      %add3A_109 = arith.addi %add3A_108, %mul3A_107 : i32
      %get3A_110 = arith.index_cast %add3A_109 : i32 to index
      %get3A_111 = tpu.vector_load %arg8[%get3A_110] {strides = array<i32>} : memref<32768xf32, #tpu.memory_space<vmem>>, vector<16xf32>,
      %add3A_112 = arith.addf %add3A_98, %get3A_111 : vector<16xf32>
      %mul3A_113 = arith.constant 16 : i32
      %mul3A_114 = arith.muli %scan3A_34, %mul3A_113 : i32
      %add3A_115 = arith.constant 10240 : i32
      %add3A_116 = arith.addi %add3A_115, %mul3A_114 : i32
      %get3A_117 = arith.index_cast %add3A_116 : i32 to index
      %get3A_118 = tpu.vector_load %arg9[%get3A_117] {strides = array<i32>} : memref<32768xf32, #tpu.memory_space<vmem>>, vector<16xf32>,
      %add3A_119 = arith.addf %add3A_105, %get3A_118 : vector<16xf32>
      %mul3A_120 = arith.constant 16 : i32
      %mul3A_121 = arith.muli %scan3A_34, %mul3A_120 : i32
      %add3A_122 = arith.constant 12288 : i32
      %add3A_123 = arith.addi %add3A_122, %mul3A_121 : i32
      %get3A_124 = arith.index_cast %add3A_123 : i32 to index
      %get3A_125 = tpu.vector_load %arg8[%get3A_124] {strides = array<i32>} : memref<32768xf32, #tpu.memory_space<vmem>>, vector<16xf32>,
      %add3A_126 = arith.addf %add3A_112, %get3A_125 : vector<16xf32>
      %mul3A_127 = arith.constant 16 : i32
      %mul3A_128 = arith.muli %scan3A_34, %mul3A_127 : i32
      %add3A_129 = arith.constant 12288 : i32
      %add3A_130 = arith.addi %add3A_129, %mul3A_128 : i32
      %get3A_131 = arith.index_cast %add3A_130 : i32 to index
      %get3A_132 = tpu.vector_load %arg9[%get3A_131] {strides = array<i32>} : memref<32768xf32, #tpu.memory_space<vmem>>, vector<16xf32>,
      %add3A_133 = arith.addf %add3A_119, %get3A_132 : vector<16xf32>
      %mul3A_134 = arith.constant 16 : i32
      %mul3A_135 = arith.muli %scan3A_34, %mul3A_134 : i32
      %add3A_136 = arith.constant 14336 : i32
      %add3A_137 = arith.addi %add3A_136, %mul3A_135 : i32
      %get3A_138 = arith.index_cast %add3A_137 : i32 to index
      %get3A_139 = tpu.vector_load %arg8[%get3A_138] {strides = array<i32>} : memref<32768xf32, #tpu.memory_space<vmem>>, vector<16xf32>,
      %add3A_140 = arith.addf %add3A_126, %get3A_139 : vector<16xf32>
      %mul3A_141 = arith.constant 16 : i32
      %mul3A_142 = arith.muli %scan3A_34, %mul3A_141 : i32
      %add3A_143 = arith.constant 14336 : i32
      %add3A_144 = arith.addi %add3A_143, %mul3A_142 : i32
      %get3A_145 = arith.index_cast %add3A_144 : i32 to index
      %get3A_146 = tpu.vector_load %arg9[%get3A_145] {strides = array<i32>} : memref<32768xf32, #tpu.memory_space<vmem>>, vector<16xf32>,
      %add3A_147 = arith.addf %add3A_133, %get3A_146 : vector<16xf32>
      %mul3A_148 = arith.constant 16 : i32
      %mul3A_149 = arith.muli %scan3A_34, %mul3A_148 : i32
      %add3A_150 = arith.constant 16384 : i32
      %add3A_151 = arith.addi %add3A_150, %mul3A_149 : i32
      %get3A_152 = arith.index_cast %add3A_151 : i32 to index
      %get3A_153 = tpu.vector_load %arg8[%get3A_152] {strides = array<i32>} : memref<32768xf32, #tpu.memory_space<vmem>>, vector<16xf32>,
      %add3A_154 = arith.addf %add3A_140, %get3A_153 : vector<16xf32>
      %mul3A_155 = arith.constant 16 : i32
      %mul3A_156 = arith.muli %scan3A_34, %mul3A_155 : i32
      %add3A_157 = arith.constant 16384 : i32
      %add3A_158 = arith.addi %add3A_157, %mul3A_156 : i32
      %get3A_159 = arith.index_cast %add3A_158 : i32 to index
      %get3A_160 = tpu.vector_load %arg9[%get3A_159] {strides = array<i32>} : memref<32768xf32, #tpu.memory_space<vmem>>, vector<16xf32>,
      %add3A_161 = arith.addf %add3A_147, %get3A_160 : vector<16xf32>
      %mul3A_162 = arith.constant 16 : i32
      %mul3A_163 = arith.muli %scan3A_34, %mul3A_162 : i32
      %add3A_164 = arith.constant 18432 : i32
      %add3A_165 = arith.addi %add3A_164, %mul3A_163 : i32
      %get3A_166 = arith.index_cast %add3A_165 : i32 to index
      %get3A_167 = tpu.vector_load %arg8[%get3A_166] {strides = array<i32>} : memref<32768xf32, #tpu.memory_space<vmem>>, vector<16xf32>,
      %add3A_168 = arith.addf %add3A_154, %get3A_167 : vector<16xf32>
      %mul3A_169 = arith.constant 16 : i32
      %mul3A_170 = arith.muli %scan3A_34, %mul3A_169 : i32
      %add3A_171 = arith.constant 18432 : i32
      %add3A_172 = arith.addi %add3A_171, %mul3A_170 : i32
      %get3A_173 = arith.index_cast %add3A_172 : i32 to index
      %get3A_174 = tpu.vector_load %arg9[%get3A_173] {strides = array<i32>} : memref<32768xf32, #tpu.memory_space<vmem>>, vector<16xf32>,
      %add3A_175 = arith.addf %add3A_161, %get3A_174 : vector<16xf32>
      %mul3A_176 = arith.constant 16 : i32
      %mul3A_177 = arith.muli %scan3A_34, %mul3A_176 : i32
      %add3A_178 = arith.constant 20480 : i32
      %add3A_179 = arith.addi %add3A_178, %mul3A_177 : i32
      %get3A_180 = arith.index_cast %add3A_179 : i32 to index
      %get3A_181 = tpu.vector_load %arg8[%get3A_180] {strides = array<i32>} : memref<32768xf32, #tpu.memory_space<vmem>>, vector<16xf32>,
      %add3A_182 = arith.addf %add3A_168, %get3A_181 : vector<16xf32>
      %mul3A_183 = arith.constant 16 : i32
      %mul3A_184 = arith.muli %scan3A_34, %mul3A_183 : i32
      %add3A_185 = arith.constant 20480 : i32
      %add3A_186 = arith.addi %add3A_185, %mul3A_184 : i32
      %get3A_187 = arith.index_cast %add3A_186 : i32 to index
      %get3A_188 = tpu.vector_load %arg9[%get3A_187] {strides = array<i32>} : memref<32768xf32, #tpu.memory_space<vmem>>, vector<16xf32>,
      %add3A_189 = arith.addf %add3A_175, %get3A_188 : vector<16xf32>
      %mul3A_190 = arith.constant 16 : i32
      %mul3A_191 = arith.muli %scan3A_34, %mul3A_190 : i32
      %add3A_192 = arith.constant 22528 : i32
      %add3A_193 = arith.addi %add3A_192, %mul3A_191 : i32
      %get3A_194 = arith.index_cast %add3A_193 : i32 to index
      %get3A_195 = tpu.vector_load %arg8[%get3A_194] {strides = array<i32>} : memref<32768xf32, #tpu.memory_space<vmem>>, vector<16xf32>,
      %add3A_196 = arith.addf %add3A_182, %get3A_195 : vector<16xf32>
      %mul3A_197 = arith.constant 16 : i32
      %mul3A_198 = arith.muli %scan3A_34, %mul3A_197 : i32
      %add3A_199 = arith.constant 22528 : i32
      %add3A_200 = arith.addi %add3A_199, %mul3A_198 : i32
      %get3A_201 = arith.index_cast %add3A_200 : i32 to index
      %get3A_202 = tpu.vector_load %arg9[%get3A_201] {strides = array<i32>} : memref<32768xf32, #tpu.memory_space<vmem>>, vector<16xf32>,
      %add3A_203 = arith.addf %add3A_189, %get3A_202 : vector<16xf32>
      %mul3A_204 = arith.constant 16 : i32
      %mul3A_205 = arith.muli %scan3A_34, %mul3A_204 : i32
      %add3A_206 = arith.constant 24576 : i32
      %add3A_207 = arith.addi %add3A_206, %mul3A_205 : i32
      %get3A_208 = arith.index_cast %add3A_207 : i32 to index
      %get3A_209 = tpu.vector_load %arg8[%get3A_208] {strides = array<i32>} : memref<32768xf32, #tpu.memory_space<vmem>>, vector<16xf32>,
      %add3A_210 = arith.addf %add3A_196, %get3A_209 : vector<16xf32>
      %mul3A_211 = arith.constant 16 : i32
      %mul3A_212 = arith.muli %scan3A_34, %mul3A_211 : i32
      %add3A_213 = arith.constant 24576 : i32
      %add3A_214 = arith.addi %add3A_213, %mul3A_212 : i32
      %get3A_215 = arith.index_cast %add3A_214 : i32 to index
      %get3A_216 = tpu.vector_load %arg9[%get3A_215] {strides = array<i32>} : memref<32768xf32, #tpu.memory_space<vmem>>, vector<16xf32>,
      %add3A_217 = arith.addf %add3A_203, %get3A_216 : vector<16xf32>
      %mul3A_218 = arith.constant 16 : i32
      %mul3A_219 = arith.muli %scan3A_34, %mul3A_218 : i32
      %add3A_220 = arith.constant 26624 : i32
      %add3A_221 = arith.addi %add3A_220, %mul3A_219 : i32
      %get3A_222 = arith.index_cast %add3A_221 : i32 to index
      %get3A_223 = tpu.vector_load %arg8[%get3A_222] {strides = array<i32>} : memref<32768xf32, #tpu.memory_space<vmem>>, vector<16xf32>,
      %add3A_224 = arith.addf %add3A_210, %get3A_223 : vector<16xf32>
      %mul3A_225 = arith.constant 16 : i32
      %mul3A_226 = arith.muli %scan3A_34, %mul3A_225 : i32
      %add3A_227 = arith.constant 26624 : i32
      %add3A_228 = arith.addi %add3A_227, %mul3A_226 : i32
      %get3A_229 = arith.index_cast %add3A_228 : i32 to index
      %get3A_230 = tpu.vector_load %arg9[%get3A_229] {strides = array<i32>} : memref<32768xf32, #tpu.memory_space<vmem>>, vector<16xf32>,
      %add3A_231 = arith.addf %add3A_217, %get3A_230 : vector<16xf32>
      %mul3A_232 = arith.constant 16 : i32
      %mul3A_233 = arith.muli %scan3A_34, %mul3A_232 : i32
      %add3A_234 = arith.constant 28672 : i32
      %add3A_235 = arith.addi %add3A_234, %mul3A_233 : i32
      %get3A_236 = arith.index_cast %add3A_235 : i32 to index
      %get3A_237 = tpu.vector_load %arg8[%get3A_236] {strides = array<i32>} : memref<32768xf32, #tpu.memory_space<vmem>>, vector<16xf32>,
      %add3A_238 = arith.addf %add3A_224, %get3A_237 : vector<16xf32>
      %mul3A_239 = arith.constant 16 : i32
      %mul3A_240 = arith.muli %scan3A_34, %mul3A_239 : i32
      %add3A_241 = arith.constant 28672 : i32
      %add3A_242 = arith.addi %add3A_241, %mul3A_240 : i32
      %get3A_243 = arith.index_cast %add3A_242 : i32 to index
      %get3A_244 = tpu.vector_load %arg9[%get3A_243] {strides = array<i32>} : memref<32768xf32, #tpu.memory_space<vmem>>, vector<16xf32>,
      %add3A_245 = arith.addf %add3A_231, %get3A_244 : vector<16xf32>
      %mul3A_246 = arith.constant 16 : i32
      %mul3A_247 = arith.muli %scan3A_34, %mul3A_246 : i32
      %add3A_248 = arith.constant 30720 : i32
      %add3A_249 = arith.addi %add3A_248, %mul3A_247 : i32
      %get3A_250 = arith.index_cast %add3A_249 : i32 to index
      %get3A_251 = tpu.vector_load %arg8[%get3A_250] {strides = array<i32>} : memref<32768xf32, #tpu.memory_space<vmem>>, vector<16xf32>,
      %add3A_252 = arith.addf %add3A_238, %get3A_251 : vector<16xf32>
      %mul3A_253 = arith.constant 16 : i32
      %mul3A_254 = arith.muli %scan3A_34, %mul3A_253 : i32
      %add3A_255 = arith.constant 30720 : i32
      %add3A_256 = arith.addi %add3A_255, %mul3A_254 : i32
      %get3A_257 = arith.index_cast %add3A_256 : i32 to index
      %get3A_258 = tpu.vector_load %arg9[%get3A_257] {strides = array<i32>} : memref<32768xf32, #tpu.memory_space<vmem>>, vector<16xf32>,
      %add3A_259 = arith.addf %add3A_245, %get3A_258 : vector<16xf32>
      %mul3A_260 = arith.constant 16 : i32
      %mul3A_261 = arith.muli %scan3A_34, %mul3A_260 : i32
      %swap3A = arith.index_cast %mul3A_261 : i32 to index
      %swap3A_262 = tpu.vector_load %arg10[%swap3A] {strides = array<i32>} : memref<2048xf32, #tpu.memory_space<vmem>>, vector<16xf32>,
      tpu.vector_store %arg10[%swap3A], %add3A_252 {strides = array<i32>} : memref<2048xf32, #tpu.memory_space<vmem>>, vector<16xf32>,
      %mul3A_263 = arith.constant 16 : i32
      %mul3A_264 = arith.muli %scan3A_34, %mul3A_263 : i32
      %swap3A_265 = arith.index_cast %mul3A_264 : i32 to index
      %swap3A_266 = tpu.vector_load %arg11[%swap3A_265] {strides = array<i32>} : memref<2048xf32, #tpu.memory_space<vmem>>, vector<16xf32>,
      tpu.vector_store %arg11[%swap3A_265], %add3A_259 {strides = array<i32>} : memref<2048xf32, #tpu.memory_space<vmem>>, vector<16xf32>,
      %scan3A_267 = arith.constant 0 : i32
      scf.yield %scan3A_267 : i32
    }
    %scan3A_29 = arith.constant 128 : i32
    %mul3A_30 = arith.constant 2048 : i32
    %mul3A_31 = arith.muli %add3A, %mul3A_30 : i32
    "tpu.region"() ({
      %run_scoped3A = tpu.sem_alloc : memref<!tpu.dma_semaphore, #tpu.memory_space<semaphore_mem>>
      %dma_start3A = tpu.memref_slice %arg4[%mul3A_31] : memref<65536xf32, #tpu.memory_space<hbm>> -> memref<2048xf32, #tpu.memory_space<hbm>>
      %dma_start3A_34 = tpu.memref_slice %arg4[%mul3A_31] : memref<65536xf32, #tpu.memory_space<hbm>> -> memref<2048xf32, #tpu.memory_space<hbm>>
      tpu.enqueue_dma source(%arg10 : memref<2048xf32, #tpu.memory_space<vmem>>) target(%dma_start3A_34 : memref<2048xf32, #tpu.memory_space<hbm>>) target_semaphore(%run_scoped3A : memref<!tpu.dma_semaphore, #tpu.memory_space<semaphore_mem>>)
      %dma_wait3A = tpu.memref_slice %arg4[%mul3A_31] : memref<65536xf32, #tpu.memory_space<hbm>> -> memref<2048xf32, #tpu.memory_space<hbm>>
      %dma_wait3A_35 = tpu.memref_slice %arg4[%mul3A_31] : memref<65536xf32, #tpu.memory_space<hbm>> -> memref<2048xf32, #tpu.memory_space<hbm>>
      tpu.wait_dma2 semaphore(%run_scoped3A : memref<!tpu.dma_semaphore, #tpu.memory_space<semaphore_mem>>) src(%arg10 : memref<2048xf32, #tpu.memory_space<vmem>>) dst(%dma_wait3A_35 : memref<2048xf32, #tpu.memory_space<hbm>>)
      tpu.yield
    }) : () -> ()
    %mul3A_32 = arith.constant 2048 : i32
    %mul3A_33 = arith.muli %add3A, %mul3A_32 : i32
    "tpu.region"() ({
      %run_scoped3A = tpu.sem_alloc : memref<!tpu.dma_semaphore, #tpu.memory_space<semaphore_mem>>
      %dma_start3A = tpu.memref_slice %arg5[%mul3A_33] : memref<65536xf32, #tpu.memory_space<hbm>> -> memref<2048xf32, #tpu.memory_space<hbm>>
      %dma_start3A_34 = tpu.memref_slice %arg5[%mul3A_33] : memref<65536xf32, #tpu.memory_space<hbm>> -> memref<2048xf32, #tpu.memory_space<hbm>>
      tpu.enqueue_dma source(%arg11 : memref<2048xf32, #tpu.memory_space<vmem>>) target(%dma_start3A_34 : memref<2048xf32, #tpu.memory_space<hbm>>) target_semaphore(%run_scoped3A : memref<!tpu.dma_semaphore, #tpu.memory_space<semaphore_mem>>)
      %dma_wait3A = tpu.memref_slice %arg5[%mul3A_33] : memref<65536xf32, #tpu.memory_space<hbm>> -> memref<2048xf32, #tpu.memory_space<hbm>>
      %dma_wait3A_35 = tpu.memref_slice %arg5[%mul3A_33] : memref<65536xf32, #tpu.memory_space<hbm>> -> memref<2048xf32, #tpu.memory_space<hbm>>
      tpu.wait_dma2 semaphore(%run_scoped3A : memref<!tpu.dma_semaphore, #tpu.memory_space<semaphore_mem>>) src(%arg11 : memref<2048xf32, #tpu.memory_space<vmem>>) dst(%dma_wait3A_35 : memref<2048xf32, #tpu.memory_space<hbm>>)
      tpu.yield
    }) : () -> ()
    return
  }
}

module attributes {stable_mosaic.version = 14 : i64} {
  func.func @_tc_scal_body(%arg0: i32, %arg1: memref<1xf32, #tpu.memory_space<smem>>, %arg2: memref<4x512x512xf32, #tpu.memory_space<vmem>>, %arg3: memref<4x512x512xf32, #tpu.memory_space<vmem>>, %arg4: memref<2x512x512xi32, #tpu.memory_space<vmem>>, %arg5: memref<5xf32, #tpu.memory_space<smem>>, %arg6: memref<3x512xf32, #tpu.memory_space<vmem>>) attributes {dimension_semantics = [#tpu.dimension_semantics<arbitrary>], iteration_bounds = array<i64: 8>, scalar_prefetch = 0 : i64, scratch_operands = 1 : i64, tpu.core_type = #tpu.core_type<tc>, window_params = [{transform_indices = @transform_0, window_bounds = array<i64: 1>}, {transform_indices = @transform_1, window_bounds = array<i64: 4, 512, 512>}, {transform_indices = @transform_2, window_bounds = array<i64: 4, 512, 512>}, {transform_indices = @transform_3, window_bounds = array<i64: 2, 512, 512>}, {transform_indices = @transform_4, window_bounds = array<i64: 5>}]} {
    %eq3A = arith.constant 0 : i32
    %eq3A_0 = arith.cmpi eq, %arg0, %eq3A : i32
    %convert_element_type3A = arith.extui %eq3A_0 : i1 to i32
    %cond3A = arith.constant 0 : i32
    %cond3A_1 = arith.cmpi ne, %convert_element_type3A, %cond3A : i32
    scf.if %cond3A_1 {
      %broadcast_in_dim3A_124 = arith.constant 0.000000e+00 : f32
      %broadcast_in_dim3A_125 = vector.broadcast %broadcast_in_dim3A_124 : f32 to vector<3x512xf32>
      %swap3A_126 = arith.constant 0 : index
      %swap3A_127 = arith.constant 0 : index
      %swap3A_128 = vector.load %arg6[%swap3A_126, %swap3A_127] : memref<3x512xf32, #tpu.memory_space<vmem>>, vector<3x512xf32>
      tpu.vector_store %arg6[%swap3A_126, %swap3A_127], %broadcast_in_dim3A_125 {strides = array<i32>} : memref<3x512xf32, #tpu.memory_space<vmem>>, vector<3x512xf32>,
    } else {
    }
    %get3A = arith.constant 0 : index
    %get3A_2 = arith.constant 0 : index
    %get3A_3 = arith.constant 0 : index
    %get3A_4 = vector.load %arg2[%get3A, %get3A_2, %get3A_3] : memref<4x512x512xf32, #tpu.memory_space<vmem>>, vector<1x512x512xf32>
    %get3A_5 = vector.shape_cast %get3A_4 : vector<1x512x512xf32> to vector<512x512xf32>
    %get3A_6 = arith.constant 0 : index
    %get3A_7 = arith.constant 0 : index
    %get3A_8 = arith.constant 0 : index
    %get3A_9 = vector.load %arg3[%get3A_6, %get3A_7, %get3A_8] : memref<4x512x512xf32, #tpu.memory_space<vmem>>, vector<1x512x512xf32>
    %get3A_10 = vector.shape_cast %get3A_9 : vector<1x512x512xf32> to vector<512x512xf32>
    %sub3A = arith.subf %get3A_5, %get3A_10 : vector<512x512xf32>
    %get3A_11 = arith.constant 1 : index
    %get3A_12 = arith.constant 0 : index
    %get3A_13 = arith.constant 0 : index
    %get3A_14 = vector.load %arg2[%get3A_11, %get3A_12, %get3A_13] : memref<4x512x512xf32, #tpu.memory_space<vmem>>, vector<1x512x512xf32>
    %get3A_15 = vector.shape_cast %get3A_14 : vector<1x512x512xf32> to vector<512x512xf32>
    %get3A_16 = arith.constant 1 : index
    %get3A_17 = arith.constant 0 : index
    %get3A_18 = arith.constant 0 : index
    %get3A_19 = vector.load %arg3[%get3A_16, %get3A_17, %get3A_18] : memref<4x512x512xf32, #tpu.memory_space<vmem>>, vector<1x512x512xf32>
    %get3A_20 = vector.shape_cast %get3A_19 : vector<1x512x512xf32> to vector<512x512xf32>
    %sub3A_21 = arith.subf %get3A_15, %get3A_20 : vector<512x512xf32>
    %mul3A = arith.mulf %sub3A, %sub3A : vector<512x512xf32>
    %mul3A_22 = arith.mulf %sub3A_21, %sub3A_21 : vector<512x512xf32>
    %add3A = arith.addf %mul3A, %mul3A_22 : vector<512x512xf32>
    %get3A_23 = arith.constant 0 : index
    %get3A_24 = arith.constant 0 : index
    %get3A_25 = arith.constant 0 : index
    %get3A_26 = vector.load %arg4[%get3A_23, %get3A_24, %get3A_25] : memref<2x512x512xi32, #tpu.memory_space<vmem>>, vector<1x512x512xi32>
    %get3A_27 = vector.shape_cast %get3A_26 : vector<1x512x512xi32> to vector<512x512xi32>
    %convert_element_type3A_28 = arith.sitofp %get3A_27 : vector<512x512xi32> to vector<512x512xf32>
    %get3A_29 = arith.constant 0 : index
    %get3A_30 = arith.constant 0 : index
    %get3A_31 = vector.load %arg6[%get3A_29, %get3A_30] : memref<3x512xf32, #tpu.memory_space<vmem>>, vector<1x512xf32>
    %reduce_sum3A = arith.constant dense<0.000000e+00> : vector<512xf32>
    %reduce_sum3A_32 = vector.multi_reduction <add>, %convert_element_type3A_28, %reduce_sum3A [0] : vector<512x512xf32> to vector<512xf32>
    %broadcast_in_dim3A = vector.shape_cast %reduce_sum3A_32 : vector<512xf32> to vector<1x512xf32>
    %add3A_33 = arith.addf %get3A_31, %broadcast_in_dim3A : vector<1x512xf32>
    %swap3A = arith.constant 0 : index
    %swap3A_34 = arith.constant 0 : index
    %swap3A_35 = vector.load %arg6[%swap3A, %swap3A_34] : memref<3x512xf32, #tpu.memory_space<vmem>>, vector<1x512xf32>
    tpu.vector_store %arg6[%swap3A, %swap3A_34], %add3A_33 {strides = array<i32>} : memref<3x512xf32, #tpu.memory_space<vmem>>, vector<1x512xf32>,
    %get3A_36 = arith.constant 1 : index
    %get3A_37 = arith.constant 0 : index
    %get3A_38 = vector.load %arg6[%get3A_36, %get3A_37] : memref<3x512xf32, #tpu.memory_space<vmem>>, vector<1x512xf32>
    %mul3A_39 = arith.mulf %add3A, %convert_element_type3A_28 : vector<512x512xf32>
    %reduce_sum3A_40 = arith.constant dense<0.000000e+00> : vector<512xf32>
    %reduce_sum3A_41 = vector.multi_reduction <add>, %mul3A_39, %reduce_sum3A_40 [0] : vector<512x512xf32> to vector<512xf32>
    %broadcast_in_dim3A_42 = vector.shape_cast %reduce_sum3A_41 : vector<512xf32> to vector<1x512xf32>
    %add3A_43 = arith.addf %get3A_38, %broadcast_in_dim3A_42 : vector<1x512xf32>
    %swap3A_44 = arith.constant 1 : index
    %swap3A_45 = arith.constant 0 : index
    %swap3A_46 = vector.load %arg6[%swap3A_44, %swap3A_45] : memref<3x512xf32, #tpu.memory_space<vmem>>, vector<1x512xf32>
    tpu.vector_store %arg6[%swap3A_44, %swap3A_45], %add3A_43 {strides = array<i32>} : memref<3x512xf32, #tpu.memory_space<vmem>>, vector<1x512xf32>,
    %get3A_47 = arith.constant 2 : index
    %get3A_48 = arith.constant 0 : index
    %get3A_49 = vector.load %arg6[%get3A_47, %get3A_48] : memref<3x512xf32, #tpu.memory_space<vmem>>, vector<1x512xf32>
    %reduce_sum3A_50 = arith.constant dense<0.000000e+00> : vector<512xf32>
    %reduce_sum3A_51 = vector.multi_reduction <add>, %add3A, %reduce_sum3A_50 [0] : vector<512x512xf32> to vector<512xf32>
    %broadcast_in_dim3A_52 = vector.shape_cast %reduce_sum3A_51 : vector<512xf32> to vector<1x512xf32>
    %add3A_53 = arith.addf %get3A_49, %broadcast_in_dim3A_52 : vector<1x512xf32>
    %swap3A_54 = arith.constant 2 : index
    %swap3A_55 = arith.constant 0 : index
    %swap3A_56 = vector.load %arg6[%swap3A_54, %swap3A_55] : memref<3x512xf32, #tpu.memory_space<vmem>>, vector<1x512xf32>
    tpu.vector_store %arg6[%swap3A_54, %swap3A_55], %add3A_53 {strides = array<i32>} : memref<3x512xf32, #tpu.memory_space<vmem>>, vector<1x512xf32>,
    %get3A_57 = arith.constant 2 : index
    %get3A_58 = arith.constant 0 : index
    %get3A_59 = arith.constant 0 : index
    %get3A_60 = vector.load %arg2[%get3A_57, %get3A_58, %get3A_59] : memref<4x512x512xf32, #tpu.memory_space<vmem>>, vector<1x512x512xf32>
    %get3A_61 = vector.shape_cast %get3A_60 : vector<1x512x512xf32> to vector<512x512xf32>
    %get3A_62 = arith.constant 2 : index
    %get3A_63 = arith.constant 0 : index
    %get3A_64 = arith.constant 0 : index
    %get3A_65 = vector.load %arg3[%get3A_62, %get3A_63, %get3A_64] : memref<4x512x512xf32, #tpu.memory_space<vmem>>, vector<1x512x512xf32>
    %get3A_66 = vector.shape_cast %get3A_65 : vector<1x512x512xf32> to vector<512x512xf32>
    %sub3A_67 = arith.subf %get3A_61, %get3A_66 : vector<512x512xf32>
    %get3A_68 = arith.constant 3 : index
    %get3A_69 = arith.constant 0 : index
    %get3A_70 = arith.constant 0 : index
    %get3A_71 = vector.load %arg2[%get3A_68, %get3A_69, %get3A_70] : memref<4x512x512xf32, #tpu.memory_space<vmem>>, vector<1x512x512xf32>
    %get3A_72 = vector.shape_cast %get3A_71 : vector<1x512x512xf32> to vector<512x512xf32>
    %get3A_73 = arith.constant 3 : index
    %get3A_74 = arith.constant 0 : index
    %get3A_75 = arith.constant 0 : index
    %get3A_76 = vector.load %arg3[%get3A_73, %get3A_74, %get3A_75] : memref<4x512x512xf32, #tpu.memory_space<vmem>>, vector<1x512x512xf32>
    %get3A_77 = vector.shape_cast %get3A_76 : vector<1x512x512xf32> to vector<512x512xf32>
    %sub3A_78 = arith.subf %get3A_72, %get3A_77 : vector<512x512xf32>
    %mul3A_79 = arith.mulf %sub3A_67, %sub3A_67 : vector<512x512xf32>
    %mul3A_80 = arith.mulf %sub3A_78, %sub3A_78 : vector<512x512xf32>
    %add3A_81 = arith.addf %mul3A_79, %mul3A_80 : vector<512x512xf32>
    %get3A_82 = arith.constant 1 : index
    %get3A_83 = arith.constant 0 : index
    %get3A_84 = arith.constant 0 : index
    %get3A_85 = vector.load %arg4[%get3A_82, %get3A_83, %get3A_84] : memref<2x512x512xi32, #tpu.memory_space<vmem>>, vector<1x512x512xi32>
    %get3A_86 = vector.shape_cast %get3A_85 : vector<1x512x512xi32> to vector<512x512xi32>
    %convert_element_type3A_87 = arith.sitofp %get3A_86 : vector<512x512xi32> to vector<512x512xf32>
    %get3A_88 = arith.constant 0 : index
    %get3A_89 = arith.constant 0 : index
    %get3A_90 = vector.load %arg6[%get3A_88, %get3A_89] : memref<3x512xf32, #tpu.memory_space<vmem>>, vector<1x512xf32>
    %reduce_sum3A_91 = arith.constant dense<0.000000e+00> : vector<512xf32>
    %reduce_sum3A_92 = vector.multi_reduction <add>, %convert_element_type3A_87, %reduce_sum3A_91 [0] : vector<512x512xf32> to vector<512xf32>
    %broadcast_in_dim3A_93 = vector.shape_cast %reduce_sum3A_92 : vector<512xf32> to vector<1x512xf32>
    %add3A_94 = arith.addf %get3A_90, %broadcast_in_dim3A_93 : vector<1x512xf32>
    %swap3A_95 = arith.constant 0 : index
    %swap3A_96 = arith.constant 0 : index
    %swap3A_97 = vector.load %arg6[%swap3A_95, %swap3A_96] : memref<3x512xf32, #tpu.memory_space<vmem>>, vector<1x512xf32>
    tpu.vector_store %arg6[%swap3A_95, %swap3A_96], %add3A_94 {strides = array<i32>} : memref<3x512xf32, #tpu.memory_space<vmem>>, vector<1x512xf32>,
    %get3A_98 = arith.constant 1 : index
    %get3A_99 = arith.constant 0 : index
    %get3A_100 = vector.load %arg6[%get3A_98, %get3A_99] : memref<3x512xf32, #tpu.memory_space<vmem>>, vector<1x512xf32>
    %mul3A_101 = arith.mulf %add3A_81, %convert_element_type3A_87 : vector<512x512xf32>
    %reduce_sum3A_102 = arith.constant dense<0.000000e+00> : vector<512xf32>
    %reduce_sum3A_103 = vector.multi_reduction <add>, %mul3A_101, %reduce_sum3A_102 [0] : vector<512x512xf32> to vector<512xf32>
    %broadcast_in_dim3A_104 = vector.shape_cast %reduce_sum3A_103 : vector<512xf32> to vector<1x512xf32>
    %add3A_105 = arith.addf %get3A_100, %broadcast_in_dim3A_104 : vector<1x512xf32>
    %swap3A_106 = arith.constant 1 : index
    %swap3A_107 = arith.constant 0 : index
    %swap3A_108 = vector.load %arg6[%swap3A_106, %swap3A_107] : memref<3x512xf32, #tpu.memory_space<vmem>>, vector<1x512xf32>
    tpu.vector_store %arg6[%swap3A_106, %swap3A_107], %add3A_105 {strides = array<i32>} : memref<3x512xf32, #tpu.memory_space<vmem>>, vector<1x512xf32>,
    %get3A_109 = arith.constant 2 : index
    %get3A_110 = arith.constant 0 : index
    %get3A_111 = vector.load %arg6[%get3A_109, %get3A_110] : memref<3x512xf32, #tpu.memory_space<vmem>>, vector<1x512xf32>
    %reduce_sum3A_112 = arith.constant dense<0.000000e+00> : vector<512xf32>
    %reduce_sum3A_113 = vector.multi_reduction <add>, %add3A_81, %reduce_sum3A_112 [0] : vector<512x512xf32> to vector<512xf32>
    %broadcast_in_dim3A_114 = vector.shape_cast %reduce_sum3A_113 : vector<512xf32> to vector<1x512xf32>
    %add3A_115 = arith.addf %get3A_111, %broadcast_in_dim3A_114 : vector<1x512xf32>
    %swap3A_116 = arith.constant 2 : index
    %swap3A_117 = arith.constant 0 : index
    %swap3A_118 = vector.load %arg6[%swap3A_116, %swap3A_117] : memref<3x512xf32, #tpu.memory_space<vmem>>, vector<1x512xf32>
    tpu.vector_store %arg6[%swap3A_116, %swap3A_117], %add3A_115 {strides = array<i32>} : memref<3x512xf32, #tpu.memory_space<vmem>>, vector<1x512xf32>,
    %eq3A_119 = arith.constant 7 : i32
    %eq3A_120 = arith.cmpi eq, %arg0, %eq3A_119 : i32
    %convert_element_type3A_121 = arith.extui %eq3A_120 : i1 to i32
    %cond3A_122 = arith.constant 0 : i32
    %cond3A_123 = arith.cmpi ne, %convert_element_type3A_121, %cond3A_122 : i32
    scf.if %cond3A_123 {
      %get3A_124 = arith.constant 0 : index
      %get3A_125 = arith.constant 0 : index
      %get3A_126 = vector.load %arg6[%get3A_124, %get3A_125] : memref<3x512xf32, #tpu.memory_space<vmem>>, vector<1x512xf32>
      %get3A_127 = vector.shape_cast %get3A_126 : vector<1x512xf32> to vector<512xf32>
      %reduce_sum3A_128 = vector.shape_cast %get3A_127 : vector<512xf32> to vector<1x512xf32>
      %reduce_sum3A_129 = arith.constant dense<0.000000e+00> : vector<1xf32>
      %reduce_sum3A_130 = vector.multi_reduction <add>, %reduce_sum3A_128, %reduce_sum3A_129 [1] : vector<1x512xf32> to vector<1xf32>
      %reduce_sum3A_131 = vector.shape_cast %reduce_sum3A_130 : vector<1xf32> to vector<1x1xf32>
      %reduce_sum3A_132 = vector.extract %reduce_sum3A_131[0, 0] : f32 from vector<1x1xf32>
      %get3A_133 = arith.constant 1 : index
      %get3A_134 = arith.constant 0 : index
      %get3A_135 = vector.load %arg6[%get3A_133, %get3A_134] : memref<3x512xf32, #tpu.memory_space<vmem>>, vector<1x512xf32>
      %get3A_136 = vector.shape_cast %get3A_135 : vector<1x512xf32> to vector<512xf32>
      %reduce_sum3A_137 = vector.shape_cast %get3A_136 : vector<512xf32> to vector<1x512xf32>
      %reduce_sum3A_138 = arith.constant dense<0.000000e+00> : vector<1xf32>
      %reduce_sum3A_139 = vector.multi_reduction <add>, %reduce_sum3A_137, %reduce_sum3A_138 [1] : vector<1x512xf32> to vector<1xf32>
      %reduce_sum3A_140 = vector.shape_cast %reduce_sum3A_139 : vector<1xf32> to vector<1x1xf32>
      %reduce_sum3A_141 = vector.extract %reduce_sum3A_140[0, 0] : f32 from vector<1x1xf32>
      %get3A_142 = arith.constant 2 : index
      %get3A_143 = arith.constant 0 : index
      %get3A_144 = vector.load %arg6[%get3A_142, %get3A_143] : memref<3x512xf32, #tpu.memory_space<vmem>>, vector<1x512xf32>
      %get3A_145 = vector.shape_cast %get3A_144 : vector<1x512xf32> to vector<512xf32>
      %reduce_sum3A_146 = vector.shape_cast %get3A_145 : vector<512xf32> to vector<1x512xf32>
      %reduce_sum3A_147 = arith.constant dense<0.000000e+00> : vector<1xf32>
      %reduce_sum3A_148 = vector.multi_reduction <add>, %reduce_sum3A_146, %reduce_sum3A_147 [1] : vector<1x512xf32> to vector<1xf32>
      %reduce_sum3A_149 = vector.shape_cast %reduce_sum3A_148 : vector<1xf32> to vector<1x1xf32>
      %reduce_sum3A_150 = vector.extract %reduce_sum3A_149[0, 0] : f32 from vector<1x1xf32>
      %sub3A_151 = arith.subf %reduce_sum3A_150, %reduce_sum3A_141 : f32
      %sub3A_152 = arith.constant 0x4A800000 : f32
      %sub3A_153 = arith.subf %sub3A_152, %reduce_sum3A_132 : f32
      %get3A_154 = arith.constant 0 : index
      %get3A_155 = memref.load %arg1[%get3A_154] : memref<1xf32, #tpu.memory_space<smem>>
      %mul3A_156 = arith.mulf %get3A_155, %reduce_sum3A_132 : f32
      %min3A = arith.minimumf %mul3A_156, %sub3A_153 : f32
      %eq3A_157 = arith.constant 0.000000e+00 : f32
      %eq3A_158 = arith.cmpf oeq, %reduce_sum3A_132, %eq3A_157 : f32
      %jit3A = arith.constant 1.000000e+00 : f32
      %select_n3A = arith.select %eq3A_158, %jit3A, %min3A : f32
      %swap3A_159 = arith.constant 0 : index
      %swap3A_160 = memref.load %arg5[%swap3A_159] : memref<5xf32, #tpu.memory_space<smem>>
      memref.store %reduce_sum3A_132, %arg5[%swap3A_159] : memref<5xf32, #tpu.memory_space<smem>>
      %swap3A_161 = arith.constant 1 : index
      %swap3A_162 = memref.load %arg5[%swap3A_161] : memref<5xf32, #tpu.memory_space<smem>>
      memref.store %reduce_sum3A_141, %arg5[%swap3A_161] : memref<5xf32, #tpu.memory_space<smem>>
      %swap3A_163 = arith.constant 2 : index
      %swap3A_164 = memref.load %arg5[%swap3A_163] : memref<5xf32, #tpu.memory_space<smem>>
      memref.store %select_n3A, %arg5[%swap3A_163] : memref<5xf32, #tpu.memory_space<smem>>
      %add3A_165 = arith.addf %reduce_sum3A_141, %sub3A_151 : f32
      %add3A_166 = arith.addf %reduce_sum3A_132, %select_n3A : f32
      %div3A = arith.divf %add3A_165, %add3A_166 : f32
      %swap3A_167 = arith.constant 3 : index
      %swap3A_168 = memref.load %arg5[%swap3A_167] : memref<5xf32, #tpu.memory_space<smem>>
      memref.store %div3A, %arg5[%swap3A_167] : memref<5xf32, #tpu.memory_space<smem>>
      %ge3A = arith.cmpf oge, %select_n3A, %sub3A_153 : f32
      %jit3A_169 = arith.constant 1.000000e+00 : f32
      %jit3A_170 = arith.constant 0.000000e+00 : f32
      %select_n3A_171 = arith.select %ge3A, %jit3A_169, %jit3A_170 : f32
      %swap3A_172 = arith.constant 4 : index
      %swap3A_173 = memref.load %arg5[%swap3A_172] : memref<5xf32, #tpu.memory_space<smem>>
      memref.store %select_n3A_171, %arg5[%swap3A_172] : memref<5xf32, #tpu.memory_space<smem>>
    } else {
    }
    return
  }
  func.func @transform_0(%arg0: i32) -> i32 {
    %c0_i32 = arith.constant 0 : i32
    %c0_i32_0 = arith.constant 0 : i32
    return %c0_i32 : i32
  }
  func.func @transform_1(%arg0: i32) -> (i32, i32, i32) {
    %c0_i32 = arith.constant 0 : i32
    %c0_i32_0 = arith.constant 0 : i32
    %c0_i32_1 = arith.constant 0 : i32
    return %arg0, %c0_i32, %c0_i32_0 : i32, i32, i32
  }
  func.func @transform_2(%arg0: i32) -> (i32, i32, i32) {
    %c0_i32 = arith.constant 0 : i32
    %c0_i32_0 = arith.constant 0 : i32
    %c0_i32_1 = arith.constant 0 : i32
    return %arg0, %c0_i32, %c0_i32_0 : i32, i32, i32
  }
  func.func @transform_3(%arg0: i32) -> (i32, i32, i32) {
    %c0_i32 = arith.constant 0 : i32
    %c0_i32_0 = arith.constant 0 : i32
    %c0_i32_1 = arith.constant 0 : i32
    return %arg0, %c0_i32, %c0_i32_0 : i32, i32, i32
  }
  func.func @transform_4(%arg0: i32) -> i32 {
    %c0_i32 = arith.constant 0 : i32
    %c0_i32_0 = arith.constant 0 : i32
    return %c0_i32 : i32
  }
}

module attributes {stable_mosaic.version = 14 : i64} {
  func.func @_tc_keys_body(%arg0: i32, %arg1: memref<2x512x512xf32, #tpu.memory_space<vmem>>, %arg2: memref<2x512x512xf32, #tpu.memory_space<vmem>>, %arg3: memref<1x512x512xi32, #tpu.memory_space<vmem>>, %arg4: memref<1x512x512xi32, #tpu.memory_space<vmem>>) attributes {dimension_semantics = [#tpu.dimension_semantics<arbitrary>], iteration_bounds = array<i64: 16>, scalar_prefetch = 0 : i64, scratch_operands = 0 : i64, tpu.core_type = #tpu.core_type<tc>, window_params = [{transform_indices = @transform_0, window_bounds = array<i64: 2, 512, 512>}, {transform_indices = @transform_1, window_bounds = array<i64: 2, 512, 512>}, {transform_indices = @transform_2, window_bounds = array<i64: 1, 512, 512>}, {transform_indices = @transform_3, window_bounds = array<i64: 1, 512, 512>}]} {
    %get3A = arith.constant 0 : index
    %get3A_0 = arith.constant 0 : index
    %get3A_1 = arith.constant 0 : index
    %get3A_2 = vector.load %arg1[%get3A, %get3A_0, %get3A_1] : memref<2x512x512xf32, #tpu.memory_space<vmem>>, vector<1x512x512xf32>
    %get3A_3 = vector.shape_cast %get3A_2 : vector<1x512x512xf32> to vector<512x512xf32>
    %get3A_4 = arith.constant 0 : index
    %get3A_5 = arith.constant 0 : index
    %get3A_6 = arith.constant 0 : index
    %get3A_7 = vector.load %arg2[%get3A_4, %get3A_5, %get3A_6] : memref<2x512x512xf32, #tpu.memory_space<vmem>>, vector<1x512x512xf32>
    %get3A_8 = vector.shape_cast %get3A_7 : vector<1x512x512xf32> to vector<512x512xf32>
    %sub3A = arith.subf %get3A_3, %get3A_8 : vector<512x512xf32>
    %get3A_9 = arith.constant 1 : index
    %get3A_10 = arith.constant 0 : index
    %get3A_11 = arith.constant 0 : index
    %get3A_12 = vector.load %arg1[%get3A_9, %get3A_10, %get3A_11] : memref<2x512x512xf32, #tpu.memory_space<vmem>>, vector<1x512x512xf32>
    %get3A_13 = vector.shape_cast %get3A_12 : vector<1x512x512xf32> to vector<512x512xf32>
    %get3A_14 = arith.constant 1 : index
    %get3A_15 = arith.constant 0 : index
    %get3A_16 = arith.constant 0 : index
    %get3A_17 = vector.load %arg2[%get3A_14, %get3A_15, %get3A_16] : memref<2x512x512xf32, #tpu.memory_space<vmem>>, vector<1x512x512xf32>
    %get3A_18 = vector.shape_cast %get3A_17 : vector<1x512x512xf32> to vector<512x512xf32>
    %sub3A_19 = arith.subf %get3A_13, %get3A_18 : vector<512x512xf32>
    %mul3A = arith.mulf %sub3A, %sub3A : vector<512x512xf32>
    %mul3A_20 = arith.mulf %sub3A_19, %sub3A_19 : vector<512x512xf32>
    %add3A = arith.addf %mul3A, %mul3A_20 : vector<512x512xf32>
    %get3A_21 = arith.constant 0 : index
    %get3A_22 = arith.constant 0 : index
    %get3A_23 = arith.constant 0 : index
    %get3A_24 = vector.load %arg3[%get3A_21, %get3A_22, %get3A_23] : memref<1x512x512xi32, #tpu.memory_space<vmem>>, vector<1x512x512xi32>
    %get3A_25 = vector.shape_cast %get3A_24 : vector<1x512x512xi32> to vector<512x512xi32>
    %eq3A = arith.constant 0 : i32
    %eq3A_26 = vector.broadcast %eq3A : i32 to vector<512x512xi32>
    %eq3A_27 = arith.cmpi eq, %get3A_25, %eq3A_26 : vector<512x512xi32>
    %bitcast_convert_type3A = tpu.bitcast %add3A : vector<512x512xf32> -> vector<512x512xi32>
    %jit3A = arith.constant -1 : i32
    %broadcast_in_dim3A = vector.broadcast %jit3A : i32 to vector<512x512xi32>
    %select_n3A = arith.select %eq3A_27, %bitcast_convert_type3A, %broadcast_in_dim3A : vector<512x512xi1>, vector<512x512xi32>
    %swap3A = arith.constant 0 : index
    %swap3A_28 = arith.constant 0 : index
    %swap3A_29 = arith.constant 0 : index
    %swap3A_30 = vector.load %arg4[%swap3A, %swap3A_28, %swap3A_29] : memref<1x512x512xi32, #tpu.memory_space<vmem>>, vector<1x512x512xi32>
    %swap3A_31 = vector.shape_cast %swap3A_30 : vector<1x512x512xi32> to vector<512x512xi32>
    %swap3A_32 = vector.shape_cast %select_n3A : vector<512x512xi32> to vector<1x512x512xi32>
    tpu.vector_store %arg4[%swap3A, %swap3A_28, %swap3A_29], %swap3A_32 {strides = array<i32>} : memref<1x512x512xi32, #tpu.memory_space<vmem>>, vector<1x512x512xi32>,
    return
  }
  func.func @transform_0(%arg0: i32) -> (i32, i32, i32) {
    %c0_i32 = arith.constant 0 : i32
    %c0_i32_0 = arith.constant 0 : i32
    %c0_i32_1 = arith.constant 0 : i32
    return %arg0, %c0_i32, %c0_i32_0 : i32, i32, i32
  }
  func.func @transform_1(%arg0: i32) -> (i32, i32, i32) {
    %c0_i32 = arith.constant 0 : i32
    %c0_i32_0 = arith.constant 0 : i32
    %c0_i32_1 = arith.constant 0 : i32
    return %arg0, %c0_i32, %c0_i32_0 : i32, i32, i32
  }
  func.func @transform_2(%arg0: i32) -> (i32, i32, i32) {
    %c0_i32 = arith.constant 0 : i32
    %c0_i32_0 = arith.constant 0 : i32
    %c0_i32_1 = arith.constant 0 : i32
    return %arg0, %c0_i32, %c0_i32_0 : i32, i32, i32
  }
  func.func @transform_3(%arg0: i32) -> (i32, i32, i32) {
    %c0_i32 = arith.constant 0 : i32
    %c0_i32_0 = arith.constant 0 : i32
    %c0_i32_1 = arith.constant 0 : i32
    return %arg0, %c0_i32, %c0_i32_0 : i32, i32, i32
  }
}

</mosaic_0001>

<sc_bundles>
// kernel: branch_0_fun.12.cloned.1.call-start
scs
__scs_entry_jumppad:
0x0: {  	(pc) =	sbr.rel $0x88, $3  }
0x1: {  	(tag) =	ssettag $0x0;
	lr =	simm.s32 $0x1  }
0x2: {  	[smem:$0x3F9D] =	sst lr;
	_ =	strace $0xD0000000  }
0x3: {  	_ = 	snop  }
0x4: {  	_ = 	snop  }
0x5: {  	_ = 	snop  }
0x6: {  	_ = 	snop  }
0x7: {  	_ = 	snop  }
__scs_overlays_trampoline_lowered:
0x8: {  	[smem:$0x3FAC] =	sst s0  }
0x9: {  	[smem:$0x3FAD] =	sst s1  }
0xa: {  	[smem:$0x3FAE] =	sst s2  }
0xb: {  	[smem:$0x3FAF] =	sst s3  }
0xc: {  	[smem:$0x3FB0] =	sst s4  }
0xd: {  	[smem:$0x3FB1] =	sst s5  }
0xe: {  	[smem:$0x3FB2] =	sst s6  }
0xf: {  	[smem:$0x3FB3] =	sst s7  }
0x10: {  	[smem:$0x3FB4] =	sst s8  }
0x11: {  	[smem:$0x3FB5] =	sst s9;
	s0 =	simm.s32 @!p0 $0x0  }
0x12: {  	s1 =	sld [smem:$0x3F9B];
	s0 =	simm.s32 @p0 $0x1  }
0x13: {  	[smem:$0x3FB6] =	sst s0;
	s0 =	simm.s32 @!p1 $0x0  }
0x14: {  	s2 =	sld [smem:$0x3F9A];
	s0 =	simm.s32 @p1 $0x1  }
0x15: {  	[smem:$0x3FB7] =	sst s0;
	s0 =	simm.s32 @!p2 $0x0  }
0x16: {  	s3 =	sld [smem:$0x3FDB];
	s0 =	simm.s32 @p2 $0x1  }
0x17: {  	s4 =	simm.s32 $0x1BF5;
	[smem:$0x3FB9] =	sst s0  }
0x18: {  	s0 =	sld [smem:$0x3F9C];
	_ =	swait.ge [sflag:s4], $0x0  }
0x19: {  	s7 =	sld [smem:$0x3F9D]  }
0x1a: {  	s8 =	sadd.s32 $0xFFFFE003, lr  }
0x1b: {  	s9 =	sadd.s32 $0xFFFFFEF7, lr;
	s5 =	simm.s32 $0xFFFFFFFF;
	p2 =	slt.u32 s8, $0xFFFFF086  }
0x1c: {  	p1 =	slt.u32 s9, $0xF7A;
	s5 =	simm.s32 @!p2 $0x0  }
0x1d: {  	s5 =	simm.s32 @p1 $0x1;
	p0 =	seq.s32 s7, s2  }
0x1e: {  	s7 =	smul.u32 @!p0 $0xF7A, s2;
	p2 =	seq.s32 @!p0 s5, $0x0  }
0x1f: {  	s9 =	smul.u32 $0xF7A, s1;
	s8 =	simm.s32 @!p0 $0x1BF5;
	p2 =	por !p2, p0  }
0x20: {  	[sflag:s8] =	ssyncset.s32 @!p0 $0xFFFFF086;
	s6 =	sadd.s32 @!p0 s3, s7;
	s7 =	simm.s32 @!p0 $0x108  }
0x21: {  	s3 =	sadd.s32 s3, s9;
	s6 =	sadd.s32 @!p0 $0x88, s6;
	s7 =	simm.s32 @p2 $0x1082  }
0x22: {  	[simem:s7], [sflag:s8] =	dma.local @!p0 [hbm:s6], $0xF7A  }
0x23: {  	s9 =	sor.u32 $0xD0000000, s2;
	s6 =	simm.s32 $0x108;
	_ =	swait.ge @!p0 [sflag:s8], $0x0  }
0x24: {  	s3 =	sadd.s32 $0x88, s3;
	s6 =	simm.s32 @!p1 $0x1082;
	[sflag:s4] =	ssyncset.s32 $0xFFFFF086  }
0x25: {  	[simem:s6], [sflag:s4] =	dma.local [hbm:s3], $0xF7A  }
0x26: {  	[smem:$0x3F9D] =	sst s1;
	(tag) =	ssettag s2;
	_ =	strace s9  }
0x27: {  	s1 =	sld [smem:$0x3FAD]  }
0x28: {  	s2 =	sld [smem:$0x3FAE]  }
0x29: {  	s4 =	sld [smem:$0x3FB0]  }
0x2a: {  	p0 =	seq.s32 s5, $0x0;
	s5 =	sld [smem:$0x3FB1]  }
0x2b: {  	s6 =	sld [smem:$0x3FB2]  }
0x2c: {  	s7 =	sld [smem:$0x3FB3]  }
0x2d: {  	s3 =	simm.s32 $0x108;
	s8 =	sld [smem:$0x3FB4]  }
0x2e: {  	s3 =	simm.s32 @!p0 $0x1082;
	s9 =	sld [smem:$0x3FB5]  }
0x2f: {  	lr =	sadd.s32 s0, s3;
	s0 =	sld [smem:$0x3FAC]  }
0x30: {  	s3 =	sld [smem:$0x3FAF]  }
0x31: {  	[smem:$0x3FB8] =	sst s10  }
0x32: {  	s10 =	sld [smem:$0x3FB6];
	_ =	sdelay $0x3  }
0x33: {  	p0 =	seq.s32 s10, $0x1;
	s10 =	sld [smem:$0x3FB8];
	_ =	sdelay $0x3  }
0x34: {  	[smem:$0x3FB8] =	sst s10  }
0x35: {  	s10 =	sld [smem:$0x3FB7];
	_ =	sdelay $0x3  }
0x36: {  	p1 =	seq.s32 s10, $0x1;
	s10 =	sld [smem:$0x3FB8];
	_ =	sdelay $0x3  }
0x37: {  	[smem:$0x3FB8] =	sst s10  }
0x38: {  	s10 =	sld [smem:$0x3FB9]  }
0x39: {  	_ = 	snop;
	(pc) =	sbr.ind lr, $3  }
0x3a: {  	_ = 	snop  }
0x3b: {  	_ = 	snop  }
0x3c: {  	p2 =	seq.s32 s10, $0x1;
	s10 =	sld [smem:$0x3FB8]  }
0x3d: {  	_ =	shalt  }
0x3e: {  	_ =	shalt  }
0x3f: {  	_ =	shalt  }
0x40: {  	_ =	shalt  }
0x41: {  	_ =	shalt  }
0x42: {  	_ =	shalt  }
0x43: {  	_ =	shalt  }
0x44: {  	_ =	shalt  }
0x45: {  	_ =	shalt  }
0x46: {  	_ =	shalt  }
0x47: {  	_ =	shalt  }
0x48: {  	_ =	shalt  }
0x49: {  	_ =	shalt  }
0x4a: {  	_ =	shalt  }
0x4b: {  	_ =	shalt  }
0x4c: {  	_ =	shalt  }
0x4d: {  	_ =	shalt  }
0x4e: {  	_ =	shalt  }
0x4f: {  	_ =	shalt  }
0x50: {  	_ =	shalt  }
0x51: {  	_ =	shalt  }
0x52: {  	_ =	shalt  }
0x53: {  	_ =	shalt  }
0x54: {  	_ =	shalt  }
0x55: {  	_ =	shalt  }
0x56: {  	_ =	shalt  }
0x57: {  	_ =	shalt  }
0x58: {  	_ =	shalt  }
0x59: {  	_ =	shalt  }
0x5a: {  	_ =	shalt  }
0x5b: {  	_ =	shalt  }
0x5c: {  	_ =	shalt  }
0x5d: {  	_ =	shalt  }
0x5e: {  	_ =	shalt  }
0x5f: {  	_ =	shalt  }
0x60: {  	_ =	shalt  }
0x61: {  	_ =	shalt  }
0x62: {  	_ =	shalt  }
0x63: {  	_ =	shalt  }
0x64: {  	_ =	shalt  }
0x65: {  	_ =	shalt  }
0x66: {  	_ =	shalt  }
0x67: {  	_ =	shalt  }
0x68: {  	_ =	shalt  }
0x69: {  	_ =	shalt  }
0x6a: {  	_ =	shalt  }
0x6b: {  	_ =	shalt  }
0x6c: {  	_ =	shalt  }
0x6d: {  	_ =	shalt  }
0x6e: {  	_ =	shalt  }
0x6f: {  	_ =	shalt  }
0x70: {  	_ =	shalt  }
0x71: {  	_ =	shalt  }
0x72: {  	_ =	shalt  }
0x73: {  	_ =	shalt  }
0x74: {  	_ =	shalt  }
0x75: {  	_ =	shalt  }
0x76: {  	_ =	shalt  }
0x77: {  	_ =	shalt  }
0x78: {  	_ =	shalt  }
0x79: {  	_ =	shalt  }
0x7a: {  	_ =	shalt  }
0x7b: {  	_ =	shalt  }
0x7c: {  	_ =	shalt  }
0x7d: {  	_ =	shalt  }
0x7e: {  	_ =	shalt  }
0x7f: {  	_ =	shalt  }
0x80: {  	_ =	shalt  }
0x81: {  	_ =	shalt  }
0x82: {  	_ =	shalt  }
0x83: {  	_ =	shalt  }
0x84: {  	_ =	shalt  }
0x85: {  	_ =	shalt  }
0x86: {  	_ =	shalt  }
0x87: {  	_ =	shalt  }
.Lfunc_end0:
.L_simem_size_0:
called_computation.1_lowered:
.L_overlay_start_0:
0x88: {  	s2 =	sld [smem:$0x3FD9]  }
0x89: {  	s3 =	sld [smem:$0x3FFE];
	_ =	sdelay $0x1  }
0x8a: {  	s1 =	srdreg.scid  }
0x8b: {  	s0 =	sand.u32 $0x1, s1  }
0x8c: {  	s16 =	sshll.u32 s0, $0xA;
	s2 =	sadd.s32 s3, s2  }
0x8d: {  	s2 =	sadd.s32 s2, s16  }
0x8e: {  	[smem:$0x3FC4] =	sst s2  }
0x8f: {  	_ = 	snop  }
0x90: {  	(tm) =	ssettm $0x1  }
0x91: {  	s17 =	sld [smem:$0x3FFB];
	_ =	sdelay $0x3  }
0x92: {  	_ =	strace s17  }
0x93: {  	s2 =	sld [smem:$0x3FFC];
	_ =	sdelay $0x3  }
0x94: {  	_ =	strace s2  }
0x95: {  	s2 =	sld [smem:$0x3FFD];
	_ =	sdelay $0x3  }
0x96: {  	_ =	strace s2  }
0x97: {  	_ =	strace $0x8FFFFFFF  }
0x98: {  	s18 =	sld [smem:$0x3FDB];
	_ =	sdelay $0x1  }
0x99: {  	s19 =	simm.s32 $_scs_section_size  }
0x9a: {  	s4 =	simm.s32 $_size__tile_overlayer_lowered;
	s5 =	simm.s32 $_tile_overlayer_lowered  }
0x9b: {  	s22 =	simm.s32 $0x1BFF;
	s21 =	sshll.u32 s5, $0x1;
	s2 =	sadd.s32 s19, s18  }
0x9c: {  	s6 =	simm.s32 $0x0;
	s20 =	sshll.u32 s4, $0x1;
	s4 =	sadd.s32 s21, s2  }
0x9d: {  	[timem:s6], [sflag:s22] =	dma.local [hbm:s4], s20  }
0x9e: {  	_ =	swait.ge [sflag:s22], s20  }
0x9f: {  	s3 =	ssub.s32 $0x0, s20;
	[sflag:s22] =	ssyncset.done $0x0  }
0xa0: {  	[sflag:s22] =	ssyncadd.s32 s3;
	_ =	sdelay $0x1  }
0xa1: {  	s23 =	simm.s32 $0x1B8B  }
0xa2: {  	_ =	swait.ge [sflag:s23], $0x1  }
0xa3: {  	[sflag:s23] =	ssyncset.done $0x0  }
0xa4: {  	s25 =	simm.s32 $0x1B8E;
	s24 =	sld [smem:$0x3FFE];
	[sflag:s23] =	ssyncadd.s32 $0xFFFFFFFF  }
0xa5: {  	s26 =	simm.s32 $execute0_lowered;
	[smem:$0x3FD2] =	sst s25  }
0xa6: {  	s4 =	sshll.u32 s26, $0x1;
	_ =	strace $0x80000049;
	[dreg:$0x1] =	wrdreg $0xFFFFFFFF  }
0xa7: {  	s28 =	simm.s32 $_size_execute0_lowered;
	s2 =	sadd.s32 s2, s4;
	[dreg:$0x0] =	wrdreg $0x0  }
0xa8: {  	s4 =	sshll.u32 s28, $0x1;
	[dreg:$0x2] =	wrdreg s2  }
0xa9: {  	[dreg:$0x3] =	wrdreg s4  }
0xaa: {  	[dreg:$0x4] =	wrdreg $0xC0  }
0xab: {  	_ =	task [dreg:s6], $0x5FFFF  }
0xac: {  	[dreg:$0x1] =	wrdreg $0xFFFFFFFF  }
0xad: {  	[dreg:$0x0] =	wrdreg $0x60  }
0xae: {  	[dreg:$0x2] =	wrdreg s24  }
0xaf: {  	[dreg:$0x3] =	wrdreg $0x9  }
0xb0: {  	_ =	task.clear_ibuf [dreg:s6], $0x4FFFF;
	_ =	strace $0x90000049  }
0xb1: {  	s29 =	simm.s32 $0x9;
	_ =	strace $0x8000004B  }
0xb2: {  	_ =	swait.ge [sflag:s29], $0x1  }
0xb3: {  	[sflag:s29] =	ssyncadd.s32 $0xFFFFFFFF  }
0xb4: {  	_ =	strace $0x9000004B  }
0xb5: {  	_ =	sfence  }
0xb6: {  	s30 =	sld [smem:$0x0];
	_ =	sdelay $0x2  }
0xb7: {  	s31 =	sshll.u32 s1, $0xD;
	s1 =	sshrl.u32 s1, $0x2  }
0xb8: {  	s3 =	sand.u32 $0x4000, s31;
	s1 =	sadd.s32 s1, s30  }
0xb9: {  	s0 =	sor.u32 s3, s0;
	s1 =	sshll.u32 s1, $0x11  }
0xba: {  	s0 =	sor.u32 s1, s0  }
0xbb: {  	s0 =	sadd.s32 $0x8F2B, s0  }
0xbc: {  	[sflag:s0] =	ssyncadd.remote.s32 $0x1  }
0xbd: {  	_ =	sfence.sel $0xFFFF  }
0xbe: {  	[dreg:$0x0] =	wrdreg $0xFFFFFFFF;
	(pc) =	sbr.abs _section_cstart, $3  }
0xbf: {  	[dreg:$0x1] =	wrdreg $0xFFFFFFFF  }
0xc0: {  	_ =	task.clear_ibuf [dreg:s6], $0x2FFFF;
	_ =	strace $0x9FFFFFFF  }
0xc1: {  	(tm) =	ssettm $0x7FFFFFFF  }
tec
execute0_lowered:
.L_overlay_start_1:
0x0: {  	(tag) =	ssettag $0x1  }
0x1: {  	s4 =	rddreg [dreg:$0x0]  }
0x2: {  	s0 =	rddreg [dreg:$0x1]  }
0x3: {  	s3 =	srdreg.scid;
	s1 =	stileid.u32;
	s2 =	simm.s32 $0x0  }
0x4: {  	s9 =	simm.s32 $0x1;
	s10 =	simm.s32 $0x2080;
	s11 =	simm.s32 $0xA080  }
0x5: {  	s12 =	simm.s32 $0x12080;
	s13 =	simm.s32 $0x12880;
	s14 =	simm.s32 $0x0  }
0x6: {  	s3 =	sand.u32 $0x1, s3;
	s5 =	sshll.u32 s1, $0x1;
	[smem:$0x7FF] =	sst s2  }
0x7: {  	s5 =	sor.u32 s3, s5;
	_ =	strace $0x8000004A;
	s7 =	ssub.s32 $0x2, s3  }
0x8: {  	s3 =	sadd.s32 $0x80600, s4;
	s6 =	sshll.u32 s5, $0xE;
	s5 =	sshll.u32 s5, $0x8  }
0x9: {  	s31 =	sshrl.u32 s7, $0x1;
	s6 =	sadd.s32 s6, s4;
	s8 =	sadd.s32 s5, s4  }
0xa: {  	v1 =	vlaneseq.u32;
	s7 =	ssub.s32 s7, s31;
	s4 =	sadd.s32 $0x400, s6;
	s5 =	sadd.s32 $0x82600, s8  }
0xb: {  	v0 =	vimm.f32 $0.0e+00;
	v2 =	vimm.f32 $1.000000000e+00;
	v1 =	vmul.u32 $0x800, v1;
	s6 =	sadd.s32 $0x84600, s8;
	s7 =	smax.u32 s7, $0x1;
	s8 =	simm.s32 $0x2000  }
.LBB2_1:
0xc: {  	[tilespmem:s8], [sflag:$0x1] =	stream.linear.gather [hbm4b:s3+s2], $0x80, $0x38;
	[tilespmem:$0x13080] =	vst v63  }
0xd: {  	_ =	swait.ge [sflag:s9], $0x80  }
0xe: {  	[sflag:s9] =	ssyncset.done $0x0  }
0xf: {  	[sflag:s9] =	ssyncadd.s32 $0xFFFFFF80  }
0x10: {  	s15 =	simm.s32 $0x40;
	s16 =	simm.s32 $0x0;
	v3 =	vld [tilespmem:$0x2000]  }
.LBB2_2:
0x11: {  	p0 =	sne.s32 s15, $0x1FFC0;
	[tilespmem:s16+$0x2080] =	vst v0;
	s17 =	smov.u32 s15;
	s15 =	sadd.s32 $0x40, s15  }
.Ltmp0:
0x12: {  	[tilespmem:s16+$0xA080] =	vst v0;
	(pc) =	sbr.rel @p0 .LBB2_2-.Ltmp0, $2  }
0x13: {  	_ =	sdelay $0x2  }
0x14: {  	s16 =	sshra.s32 s17, $0x2  }
0x15: {  	[tilespmem:s16+$0x2080] =	vst v0  }
0x16: {  	s15 =	simm.s32 $0x0;
	[tilespmem:s16+$0xA080] =	vst v0;
	s16 =	simm.s32 $0x0  }
.LBB2_4:
0x17: {  	s17 =	sshll.u32 s16, $0xA  }
0x18: {  	s17 =	sadd.s32 s17, s4  }
0x19: {  	[tilespmem:s15], [sflag:$0x1] =	stream.linear.gather [hbm4b:s17+s15], $0x2000, $0x38;
	[tilespmem:$0x13080] =	vst v63  }
0x1a: {  	_ =	swait.ge [sflag:s9], $0x2000  }
0x1b: {  	[sflag:s9] =	ssyncset.done $0x0  }
0x1c: {  	s31 =	simm.s32 $0x0;
	[sflag:s9] =	ssyncadd.s32 $0xFFFFE000  }
0x1d: {  	s17 =	simm.s32 $0x40;
	v4 =	vld [tilespmem:s31+$0x0]  }
.LBB2_5:
0x1e: {  	p0 =	sne.s32 s17, $0x7FC0;
	_ =	sdelay $0x3  }
0x1f: {  	v5 =	vshra.s32 v4, $0x15;
	v6 =	vshrl.u32 v4, $0xA  }
0x20: {  	vm0 =	vgt.s32 v4, $0xFFFFFFFF;
	vm1 =	veq.s32 v5, v3;
	v5 =	vand.u32 $0x7FF, v6  }
0x21: {  	vm0 =	vmand vm0, vm1;
	v5 =	vor.u32 v1, v5  }
0x22: {  	v5 =	vsel vm0, v5, v1;
	_ =	sdelay $0x2  }
.Ltmp1:
0x23: {  	(pc) =	sbr.rel @p0 .LBB2_5-.Ltmp1, $4  }
0x24: {  	_ = 	snop  }
0x25: {  	[tilespmem:v5+s10+$0x0] =	vst.idx.add.f32.msk vm0, v2  }
0x26: {  	s18 =	sshra.s32 s17, $0x2;
	[tilespmem:v5+s11+$0x0] =	vst.idx.add.f32.msk vm0, v4  }
0x27: {  	s17 =	sadd.s32 $0x40, s17;
	v4 =	vld [tilespmem:s18+$0x0]  }
0x28: {  	_ =	sdelay $0x3  }
0x29: {  	v5 =	vshra.s32 v4, $0x15;
	v6 =	vshrl.u32 v4, $0xA  }
0x2a: {  	vm0 =	vgt.s32 v4, $0xFFFFFFFF;
	vm1 =	veq.s32 v5, v3;
	v5 =	vand.u32 $0x7FF, v6  }
0x2b: {  	vm0 =	vmand vm0, vm1;
	v5 =	vor.u32 v1, v5  }
0x2c: {  	s16 =	sadd.s32 $0x1, s16;
	v5 =	vsel vm0, v5, v1  }
0x2d: {  	p0 =	sne.s32 s16, $0x10  }
.Ltmp2:
0x2e: {  	_ = 	snop;
	(pc) =	sbr.rel @p0 .LBB2_4-.Ltmp2, $3  }
0x2f: {  	_ =	sdelay $0x1  }
0x30: {  	[tilespmem:v5+s10+$0x0] =	vst.idx.add.f32.msk vm0, v2  }
0x31: {  	[tilespmem:v5+s11+$0x0] =	vst.idx.add.f32.msk vm0, v4  }
0x32: {  	s15 =	simm.s32 $0x0  }
0x33: {  	v3 =	vld [tilespmem:s15+$0xA080]  }
0x34: {  	v4 =	vld [tilespmem:s15+$0x2080]  }
0x35: {  	v5 =	vld [tilespmem:s15+$0xA880]  }
0x36: {  	v6 =	vld [tilespmem:s15+$0x2880]  }
0x37: {  	v7 =	vld [tilespmem:s15+$0xB080]  }
0x38: {  	v8 =	vld [tilespmem:s15+$0x3080];
	v3 =	vadd.f32 $0.0e+00, v3  }
0x39: {  	v9 =	vld [tilespmem:s15+$0xB880];
	v4 =	vadd.f32 $0.0e+00, v4  }
0x3a: {  	v3 =	vadd.f32 v5, v3;
	v5 =	vld [tilespmem:s15+$0x3880]  }
0x3b: {  	v10 =	vld [tilespmem:s15+$0xC080];
	v4 =	vadd.f32 v6, v4  }
0x3c: {  	v6 =	vld [tilespmem:s15+$0x4080];
	v3 =	vadd.f32 v7, v3  }
0x3d: {  	v7 =	vld [tilespmem:s15+$0xC880];
	v4 =	vadd.f32 v8, v4  }
0x3e: {  	v8 =	vld [tilespmem:s15+$0x4880];
	v3 =	vadd.f32 v9, v3  }
0x3f: {  	v9 =	vld [tilespmem:s15+$0xD080];
	v4 =	vadd.f32 v5, v4  }
0x40: {  	v5 =	vld [tilespmem:s15+$0x5080];
	v3 =	vadd.f32 v10, v3  }
0x41: {  	v10 =	vld [tilespmem:s15+$0xD880];
	v4 =	vadd.f32 v6, v4  }
0x42: {  	v6 =	vld [tilespmem:s15+$0x5880];
	v3 =	vadd.f32 v7, v3  }
0x43: {  	v7 =	vld [tilespmem:s15+$0xE080];
	v4 =	vadd.f32 v8, v4  }
0x44: {  	v8 =	vld [tilespmem:s15+$0x6080];
	v3 =	vadd.f32 v9, v3  }
0x45: {  	v9 =	vld [tilespmem:s15+$0xE880];
	v4 =	vadd.f32 v5, v4  }
0x46: {  	v5 =	vld [tilespmem:s15+$0x6880];
	v3 =	vadd.f32 v10, v3  }
0x47: {  	v10 =	vld [tilespmem:s15+$0xF080];
	v4 =	vadd.f32 v6, v4  }
0x48: {  	v6 =	vld [tilespmem:s15+$0x7080];
	v3 =	vadd.f32 v7, v3  }
0x49: {  	v7 =	vld [tilespmem:s15+$0xF880];
	v4 =	vadd.f32 v8, v4  }
0x4a: {  	v8 =	vld [tilespmem:s15+$0x7880];
	v3 =	vadd.f32 v9, v3  }
0x4b: {  	v9 =	vld [tilespmem:s15+$0x10080];
	v4 =	vadd.f32 v5, v4  }
0x4c: {  	v3 =	vadd.f32 v10, v3;
	v10 =	vld [tilespmem:s15+$0x8080]  }
0x4d: {  	v11 =	vld [tilespmem:s15+$0x10880];
	v5 =	vadd.f32 v6, v4  }
0x4e: {  	v6 =	vadd.f32 v7, v3;
	v3 =	vld [tilespmem:s15+$0x8880]  }
0x4f: {  	v4 =	vld [tilespmem:s15+$0x11080];
	v7 =	vadd.f32 v8, v5  }
0x50: {  	v5 =	vld [tilespmem:s15+$0x9080];
	v9 =	vadd.f32 v9, v6  }
0x51: {  	v6 =	vld [tilespmem:s15+$0x11880];
	v8 =	vadd.f32 v10, v7  }
0x52: {  	s16 =	simm.s32 $0x10;
	s17 =	simm.s32 $0x80;
	v7 =	vld [tilespmem:s15+$0x9880];
	v9 =	vadd.f32 v11, v9  }
.LBB2_8:
0x53: {  	p0 =	sne.s32 s17, $0x1FC0;
	v10 =	vld [tilespmem:s16+$0xA080];
	v3 =	vadd.f32 v3, v8  }
0x54: {  	v8 =	vld [tilespmem:s16+$0x2080];
	v4 =	vadd.f32 v4, v9  }
0x55: {  	v9 =	vld [tilespmem:s16+$0xA880];
	v3 =	vadd.f32 v5, v3  }
0x56: {  	v5 =	vld [tilespmem:s16+$0x2880];
	v4 =	vadd.f32 v6, v4  }
0x57: {  	v6 =	vld [tilespmem:s16+$0xB080];
	v3 =	vadd.f32 v7, v3  }
0x58: {  	v7 =	vadd.f32 $0.0e+00, v10;
	v10 =	vld [tilespmem:s16+$0x3080];
	[tilespmem:s15+$0x12880] =	vst v4  }
0x59: {  	v4 =	vadd.f32 $0.0e+00, v8;
	v8 =	vld [tilespmem:s16+$0xB880];
	[tilespmem:s15+$0x12080] =	vst v3;
	s15 =	smov.u32 s16  }
0x5a: {  	v3 =	vadd.f32 v9, v7;
	v7 =	vld [tilespmem:s15+$0x3880]  }
0x5b: {  	v4 =	vadd.f32 v5, v4;
	v5 =	vld [tilespmem:s15+$0xC080]  }
0x5c: {  	v3 =	vadd.f32 v6, v3;
	v6 =	vld [tilespmem:s15+$0x4080]  }
0x5d: {  	v4 =	vadd.f32 v10, v4;
	v9 =	vld [tilespmem:s15+$0xC880]  }
0x5e: {  	v3 =	vadd.f32 v8, v3;
	v8 =	vld [tilespmem:s15+$0x4880]  }
0x5f: {  	v4 =	vadd.f32 v7, v4;
	v7 =	vld [tilespmem:s15+$0xD080]  }
0x60: {  	v3 =	vadd.f32 v5, v3;
	v5 =	vld [tilespmem:s15+$0x5080]  }
0x61: {  	v4 =	vadd.f32 v6, v4;
	v6 =	vld [tilespmem:s15+$0xD880]  }
0x62: {  	v3 =	vadd.f32 v9, v3;
	v9 =	vld [tilespmem:s15+$0x5880]  }
0x63: {  	v4 =	vadd.f32 v8, v4;
	v8 =	vld [tilespmem:s15+$0xE080]  }
0x64: {  	v3 =	vadd.f32 v7, v3;
	v7 =	vld [tilespmem:s15+$0x6080]  }
0x65: {  	v4 =	vadd.f32 v5, v4;
	v5 =	vld [tilespmem:s15+$0xE880]  }
0x66: {  	v3 =	vadd.f32 v6, v3;
	v6 =	vld [tilespmem:s15+$0x6880]  }
0x67: {  	v4 =	vadd.f32 v9, v4;
	v9 =	vld [tilespmem:s15+$0xF080]  }
0x68: {  	v3 =	vadd.f32 v8, v3;
	v8 =	vld [tilespmem:s15+$0x7080]  }
0x69: {  	v4 =	vadd.f32 v7, v4;
	v7 =	vld [tilespmem:s15+$0xF880]  }
0x6a: {  	v3 =	vadd.f32 v5, v3;
	v5 =	vld [tilespmem:s15+$0x7880]  }
0x6b: {  	v4 =	vadd.f32 v6, v4;
	v6 =	vld [tilespmem:s15+$0x10080]  }
0x6c: {  	v3 =	vadd.f32 v9, v3;
	v9 =	vld [tilespmem:s15+$0x8080]  }
0x6d: {  	v4 =	vadd.f32 v8, v4;
	v10 =	vld [tilespmem:s15+$0x10880]  }
.Ltmp3:
0x6e: {  	v7 =	vadd.f32 v7, v3;
	v3 =	vld [tilespmem:s15+$0x8880];
	(pc) =	sbr.rel @p0 .LBB2_8-.Ltmp3, $4  }
0x6f: {  	v8 =	vadd.f32 v5, v4;
	v4 =	vld [tilespmem:s15+$0x11080]  }
0x70: {  	v7 =	vadd.f32 v6, v7;
	v5 =	vld [tilespmem:s15+$0x9080]  }
0x71: {  	v8 =	vadd.f32 v9, v8;
	v6 =	vld [tilespmem:s15+$0x11880]  }
0x72: {  	s16 =	sshra.s32 s17, $0x2;
	s17 =	sadd.s32 $0x40, s17;
	v9 =	vadd.f32 v10, v7;
	v7 =	vld [tilespmem:s15+$0x9880]  }
0x73: {  	v10 =	vld [tilespmem:s16+$0xA080];
	v3 =	vadd.f32 v3, v8  }
0x74: {  	v11 =	vld [tilespmem:s16+$0x2080];
	v4 =	vadd.f32 v4, v9  }
0x75: {  	v31 =	vld [tilespmem:s16+$0xA880];
	v3 =	vadd.f32 v5, v3  }
0x76: {  	v32 =	vld [tilespmem:s16+$0x2880];
	v4 =	vadd.f32 v6, v4  }
0x77: {  	v33 =	vld [tilespmem:s16+$0xB080];
	v3 =	vadd.f32 v7, v3  }
0x78: {  	v34 =	vld [tilespmem:s16+$0x3080];
	[tilespmem:s15+$0x12880] =	vst v4;
	v35 =	vadd.f32 $0.0e+00, v10  }
0x79: {  	v37 =	vadd.f32 $0.0e+00, v11;
	v36 =	vld [tilespmem:s16+$0xB880];
	[tilespmem:s15+$0x12080] =	vst v3  }
0x7a: {  	v3 =	vadd.f32 v31, v35;
	v38 =	vld [tilespmem:s16+$0x3880]  }
0x7b: {  	v39 =	vadd.f32 v32, v37;
	v40 =	vld [tilespmem:s16+$0xC080]  }
0x7c: {  	v41 =	vld [tilespmem:s16+$0x4080];
	v3 =	vadd.f32 v33, v3  }
0x7d: {  	v42 =	vld [tilespmem:s16+$0xC880];
	v6 =	vadd.f32 v34, v39  }
0x7e: {  	v43 =	vld [tilespmem:s16+$0x4880];
	v3 =	vadd.f32 v36, v3  }
0x7f: {  	v44 =	vld [tilespmem:s16+$0xD080];
	v4 =	vadd.f32 v38, v6  }
0x80: {  	v45 =	vld [tilespmem:s16+$0x5080];
	v3 =	vadd.f32 v40, v3  }
0x81: {  	v46 =	vld [tilespmem:s16+$0xD880];
	v4 =	vadd.f32 v41, v4  }
0x82: {  	v47 =	vld [tilespmem:s16+$0x5880];
	v3 =	vadd.f32 v42, v3  }
0x83: {  	v48 =	vld [tilespmem:s16+$0xE080];
	v4 =	vadd.f32 v43, v4  }
0x84: {  	v49 =	vld [tilespmem:s16+$0x6080];
	v3 =	vadd.f32 v44, v3  }
0x85: {  	v50 =	vld [tilespmem:s16+$0xE880];
	v4 =	vadd.f32 v45, v4  }
0x86: {  	v51 =	vld [tilespmem:s16+$0x6880];
	v3 =	vadd.f32 v46, v3  }
0x87: {  	v52 =	vld [tilespmem:s16+$0xF080];
	v4 =	vadd.f32 v47, v4  }
0x88: {  	v53 =	vld [tilespmem:s16+$0x7080];
	v3 =	vadd.f32 v48, v3  }
0x89: {  	v54 =	vld [tilespmem:s16+$0xF880];
	v4 =	vadd.f32 v49, v4  }
0x8a: {  	v55 =	vld [tilespmem:s16+$0x7880];
	v3 =	vadd.f32 v50, v3  }
0x8b: {  	v56 =	vld [tilespmem:s16+$0x10080];
	v4 =	vadd.f32 v51, v4  }
0x8c: {  	v57 =	vld [tilespmem:s16+$0x8080];
	v3 =	vadd.f32 v52, v3  }
0x8d: {  	v58 =	vld [tilespmem:s16+$0x10880];
	v4 =	vadd.f32 v53, v4  }
0x8e: {  	v59 =	vld [tilespmem:s16+$0x8880];
	v3 =	vadd.f32 v54, v3  }
0x8f: {  	v60 =	vld [tilespmem:s16+$0x11080];
	v4 =	vadd.f32 v55, v4  }
0x90: {  	v61 =	vld [tilespmem:s16+$0x9080];
	v3 =	vadd.f32 v56, v3  }
0x91: {  	v62 =	vld [tilespmem:s16+$0x11880];
	v4 =	vadd.f32 v57, v4  }
0x92: {  	v63 =	vld [tilespmem:s16+$0x9880];
	v3 =	vadd.f32 v58, v3  }
0x93: {  	v4 =	vadd.f32 v59, v4  }
0x94: {  	v3 =	vadd.f32 v60, v3  }
0x95: {  	v4 =	vadd.f32 v61, v4  }
0x96: {  	v3 =	vadd.f32 v62, v3  }
0x97: {  	v4 =	vadd.f32 v63, v4  }
0x98: {  	[tilespmem:s16+$0x12880] =	vst v3  }
0x99: {  	[tilespmem:s16+$0x12080] =	vst v4  }
0x9a: {  	[hbm4b:s5+s2] =	stream.linear.scatter [tilespmem:s12], [sflag:$0x1], $0x800, $0x38;
	[tilespmem:$0x13080] =	vst v63  }
0x9b: {  	s14 =	sadd.s32 $0x1, s14;
	_ =	swait.ge [sflag:s9], $0x800  }
0x9c: {  	p0 =	sne.s32 s14, s7;
	[sflag:s9] =	ssyncset.done $0x0  }
.Ltmp4:
0x9d: {  	[sflag:s9] =	ssyncadd.s32 $0xFFFFF800;
	(pc) =	sbr.rel @p0 .LBB2_1-.Ltmp4, $4  }
0x9e: {  	[hbm4b:s6+s2] =	stream.linear.scatter [tilespmem:s13], [sflag:$0x1], $0x800, $0x38;
	[tilespmem:$0x13080] =	vst v63  }
0x9f: {  	_ =	swait.ge [sflag:s9], $0x800  }
0xa0: {  	[sflag:s9] =	ssyncset.done $0x0  }
0xa1: {  	[sflag:s9] =	ssyncadd.s32 $0xFFFFF800  }
0xa2: {  	_ =	sfence.sel $0x180000  }
0xa3: {  	[bflag:$0x0] =	sbarrier.arrive $0xFFFF  }
0xa4: {  	p0 =	sne.s32 s1, $0x0;
	_ =	strace $0x9000004A  }
0xa5: {  	s0 =	sadd.s32 @!p0 $0x100000, s0;
	[bflag:$0x2] =	sbarrier.arrive $0xFFFF  }
0xa6: {  	[sflag:s0] =	ssyncadd.tile.s32 @!p0 $0x1;
	_ =	shalt  }
.Lfunc_end2:
_tile_overlayer_lowered:
.L_overlay_start_2:
0xa7: {  	(tag) =	ssettag $0x2  }
0xa8: {  	s0 =	rddreg [dreg:$0x0];
	s2 =	stileid.u32  }
0xa9: {  	s1 =	rddreg [dreg:$0x1];
	p0 =	sne.s32 s2, $0x0  }
0xaa: {  	s3 =	rddreg [dreg:$0x2];
	[bflag:$0x3] =	sbarrier.arrive $0xFFFF;
	s2 =	simm.s32 @!p0 $0x1C01  }
0xab: {  	[timem:s3], [sflag:s2] =	dma.local @!p0 [hbm:s0], s1  }
0xac: {  	s0 =	simm.s32 @!p0 $0x1  }
0xad: {  	_ =	swait.ge @!p0 [sflag:s0], s1  }
0xae: {  	s1 =	ssub.s32 @!p0 $0x0, s1;
	[sflag:s0] =	ssyncset.done @!p0 $0x0  }
0xaf: {  	[sflag:s0] =	ssyncadd.s32 @!p0 s1  }
0xb0: {  	[bflag:$0x3] =	sbarrier.arrive $0xFFFF  }
0xb1: {  	_ =	shalt  }

// kernel: branch_0_fun.9.cloned.1.call-start
scs
__scs_entry_jumppad:
0x0: {  	(pc) =	sbr.rel $0x88, $3  }
0x1: {  	(tag) =	ssettag $0x0;
	lr =	simm.s32 $0x1  }
0x2: {  	[smem:$0x3F9D] =	sst lr;
	_ =	strace $0xD0000000  }
0x3: {  	_ = 	snop  }
0x4: {  	_ = 	snop  }
0x5: {  	_ = 	snop  }
0x6: {  	_ = 	snop  }
0x7: {  	_ = 	snop  }
__scs_overlays_trampoline_lowered:
0x8: {  	[smem:$0x3FAC] =	sst s0  }
0x9: {  	[smem:$0x3FAD] =	sst s1  }
0xa: {  	[smem:$0x3FAE] =	sst s2  }
0xb: {  	[smem:$0x3FAF] =	sst s3  }
0xc: {  	[smem:$0x3FB0] =	sst s4  }
0xd: {  	[smem:$0x3FB1] =	sst s5  }
0xe: {  	[smem:$0x3FB2] =	sst s6  }
0xf: {  	[smem:$0x3FB3] =	sst s7  }
0x10: {  	[smem:$0x3FB4] =	sst s8  }
0x11: {  	[smem:$0x3FB5] =	sst s9;
	s0 =	simm.s32 @!p0 $0x0  }
0x12: {  	s1 =	sld [smem:$0x3F9B];
	s0 =	simm.s32 @p0 $0x1  }
0x13: {  	[smem:$0x3FB6] =	sst s0;
	s0 =	simm.s32 @!p1 $0x0  }
0x14: {  	s2 =	sld [smem:$0x3F9A];
	s0 =	simm.s32 @p1 $0x1  }
0x15: {  	[smem:$0x3FB7] =	sst s0;
	s0 =	simm.s32 @!p2 $0x0  }
0x16: {  	s3 =	sld [smem:$0x3FDB];
	s0 =	simm.s32 @p2 $0x1  }
0x17: {  	s4 =	simm.s32 $0x1BF5;
	[smem:$0x3FB9] =	sst s0  }
0x18: {  	s0 =	sld [smem:$0x3F9C];
	_ =	swait.ge [sflag:s4], $0x0  }
0x19: {  	s7 =	sld [smem:$0x3F9D]  }
0x1a: {  	s8 =	sadd.s32 $0xFFFFE003, lr  }
0x1b: {  	s9 =	sadd.s32 $0xFFFFFEF7, lr;
	s5 =	simm.s32 $0xFFFFFFFF;
	p2 =	slt.u32 s8, $0xFFFFF086  }
0x1c: {  	p1 =	slt.u32 s9, $0xF7A;
	s5 =	simm.s32 @!p2 $0x0  }
0x1d: {  	s5 =	simm.s32 @p1 $0x1;
	p0 =	seq.s32 s7, s2  }
0x1e: {  	s7 =	smul.u32 @!p0 $0xF7A, s2;
	p2 =	seq.s32 @!p0 s5, $0x0  }
0x1f: {  	s9 =	smul.u32 $0xF7A, s1;
	s8 =	simm.s32 @!p0 $0x1BF5;
	p2 =	por !p2, p0  }
0x20: {  	[sflag:s8] =	ssyncset.s32 @!p0 $0xFFFFF086;
	s6 =	sadd.s32 @!p0 s3, s7;
	s7 =	simm.s32 @!p0 $0x108  }
0x21: {  	s3 =	sadd.s32 s3, s9;
	s6 =	sadd.s32 @!p0 $0x88, s6;
	s7 =	simm.s32 @p2 $0x1082  }
0x22: {  	[simem:s7], [sflag:s8] =	dma.local @!p0 [hbm:s6], $0xF7A  }
0x23: {  	s9 =	sor.u32 $0xD0000000, s2;
	s6 =	simm.s32 $0x108;
	_ =	swait.ge @!p0 [sflag:s8], $0x0  }
0x24: {  	s3 =	sadd.s32 $0x88, s3;
	s6 =	simm.s32 @!p1 $0x1082;
	[sflag:s4] =	ssyncset.s32 $0xFFFFF086  }
0x25: {  	[simem:s6], [sflag:s4] =	dma.local [hbm:s3], $0xF7A  }
0x26: {  	[smem:$0x3F9D] =	sst s1;
	(tag) =	ssettag s2;
	_ =	strace s9  }
0x27: {  	s1 =	sld [smem:$0x3FAD]  }
0x28: {  	s2 =	sld [smem:$0x3FAE]  }
0x29: {  	s4 =	sld [smem:$0x3FB0]  }
0x2a: {  	p0 =	seq.s32 s5, $0x0;
	s5 =	sld [smem:$0x3FB1]  }
0x2b: {  	s6 =	sld [smem:$0x3FB2]  }
0x2c: {  	s7 =	sld [smem:$0x3FB3]  }
0x2d: {  	s3 =	simm.s32 $0x108;
	s8 =	sld [smem:$0x3FB4]  }
0x2e: {  	s3 =	simm.s32 @!p0 $0x1082;
	s9 =	sld [smem:$0x3FB5]  }
0x2f: {  	lr =	sadd.s32 s0, s3;
	s0 =	sld [smem:$0x3FAC]  }
0x30: {  	s3 =	sld [smem:$0x3FAF]  }
0x31: {  	[smem:$0x3FB8] =	sst s10  }
0x32: {  	s10 =	sld [smem:$0x3FB6];
	_ =	sdelay $0x3  }
0x33: {  	p0 =	seq.s32 s10, $0x1;
	s10 =	sld [smem:$0x3FB8];
	_ =	sdelay $0x3  }
0x34: {  	[smem:$0x3FB8] =	sst s10  }
0x35: {  	s10 =	sld [smem:$0x3FB7];
	_ =	sdelay $0x3  }
0x36: {  	p1 =	seq.s32 s10, $0x1;
	s10 =	sld [smem:$0x3FB8];
	_ =	sdelay $0x3  }
0x37: {  	[smem:$0x3FB8] =	sst s10  }
0x38: {  	s10 =	sld [smem:$0x3FB9]  }
0x39: {  	_ = 	snop;
	(pc) =	sbr.ind lr, $3  }
0x3a: {  	_ = 	snop  }
0x3b: {  	_ = 	snop  }
0x3c: {  	p2 =	seq.s32 s10, $0x1;
	s10 =	sld [smem:$0x3FB8]  }
0x3d: {  	_ =	shalt  }
0x3e: {  	_ =	shalt  }
0x3f: {  	_ =	shalt  }
0x40: {  	_ =	shalt  }
0x41: {  	_ =	shalt  }
0x42: {  	_ =	shalt  }
0x43: {  	_ =	shalt  }
0x44: {  	_ =	shalt  }
0x45: {  	_ =	shalt  }
0x46: {  	_ =	shalt  }
0x47: {  	_ =	shalt  }
0x48: {  	_ =	shalt  }
0x49: {  	_ =	shalt  }
0x4a: {  	_ =	shalt  }
0x4b: {  	_ =	shalt  }
0x4c: {  	_ =	shalt  }
0x4d: {  	_ =	shalt  }
0x4e: {  	_ =	shalt  }
0x4f: {  	_ =	shalt  }
0x50: {  	_ =	shalt  }
0x51: {  	_ =	shalt  }
0x52: {  	_ =	shalt  }
0x53: {  	_ =	shalt  }
0x54: {  	_ =	shalt  }
0x55: {  	_ =	shalt  }
0x56: {  	_ =	shalt  }
0x57: {  	_ =	shalt  }
0x58: {  	_ =	shalt  }
0x59: {  	_ =	shalt  }
0x5a: {  	_ =	shalt  }
0x5b: {  	_ =	shalt  }
0x5c: {  	_ =	shalt  }
0x5d: {  	_ =	shalt  }
0x5e: {  	_ =	shalt  }
0x5f: {  	_ =	shalt  }
0x60: {  	_ =	shalt  }
0x61: {  	_ =	shalt  }
0x62: {  	_ =	shalt  }
0x63: {  	_ =	shalt  }
0x64: {  	_ =	shalt  }
0x65: {  	_ =	shalt  }
0x66: {  	_ =	shalt  }
0x67: {  	_ =	shalt  }
0x68: {  	_ =	shalt  }
0x69: {  	_ =	shalt  }
0x6a: {  	_ =	shalt  }
0x6b: {  	_ =	shalt  }
0x6c: {  	_ =	shalt  }
0x6d: {  	_ =	shalt  }
0x6e: {  	_ =	shalt  }
0x6f: {  	_ =	shalt  }
0x70: {  	_ =	shalt  }
0x71: {  	_ =	shalt  }
0x72: {  	_ =	shalt  }
0x73: {  	_ =	shalt  }
0x74: {  	_ =	shalt  }
0x75: {  	_ =	shalt  }
0x76: {  	_ =	shalt  }
0x77: {  	_ =	shalt  }
0x78: {  	_ =	shalt  }
0x79: {  	_ =	shalt  }
0x7a: {  	_ =	shalt  }
0x7b: {  	_ =	shalt  }
0x7c: {  	_ =	shalt  }
0x7d: {  	_ =	shalt  }
0x7e: {  	_ =	shalt  }
0x7f: {  	_ =	shalt  }
0x80: {  	_ =	shalt  }
0x81: {  	_ =	shalt  }
0x82: {  	_ =	shalt  }
0x83: {  	_ =	shalt  }
0x84: {  	_ =	shalt  }
0x85: {  	_ =	shalt  }
0x86: {  	_ =	shalt  }
0x87: {  	_ =	shalt  }
.Lfunc_end0:
.L_simem_size_0:
called_computation_lowered:
.L_overlay_start_0:
0x88: {  	s2 =	sld [smem:$0x3FD9]  }
0x89: {  	s3 =	sld [smem:$0x3FFE];
	_ =	sdelay $0x1  }
0x8a: {  	s1 =	srdreg.scid  }
0x8b: {  	s0 =	sand.u32 $0x1, s1  }
0x8c: {  	s16 =	sshll.u32 s0, $0xA;
	s2 =	sadd.s32 s3, s2  }
0x8d: {  	s2 =	sadd.s32 s2, s16  }
0x8e: {  	[smem:$0x3FC4] =	sst s2  }
0x8f: {  	_ = 	snop  }
0x90: {  	(tm) =	ssettm $0x1  }
0x91: {  	s17 =	sld [smem:$0x3FFB];
	_ =	sdelay $0x3  }
0x92: {  	_ =	strace s17  }
0x93: {  	s2 =	sld [smem:$0x3FFC];
	_ =	sdelay $0x3  }
0x94: {  	_ =	strace s2  }
0x95: {  	s2 =	sld [smem:$0x3FFD];
	_ =	sdelay $0x3  }
0x96: {  	_ =	strace s2  }
0x97: {  	_ =	strace $0x8FFFFFFF  }
0x98: {  	s18 =	sld [smem:$0x3FDB];
	_ =	sdelay $0x1  }
0x99: {  	s19 =	simm.s32 $_scs_section_size  }
0x9a: {  	s4 =	simm.s32 $_size__tile_overlayer_lowered;
	s5 =	simm.s32 $_tile_overlayer_lowered  }
0x9b: {  	s22 =	simm.s32 $0x1BFF;
	s21 =	sshll.u32 s5, $0x1;
	s2 =	sadd.s32 s19, s18  }
0x9c: {  	s6 =	simm.s32 $0x0;
	s20 =	sshll.u32 s4, $0x1;
	s4 =	sadd.s32 s21, s2  }
0x9d: {  	[timem:s6], [sflag:s22] =	dma.local [hbm:s4], s20  }
0x9e: {  	_ =	swait.ge [sflag:s22], s20  }
0x9f: {  	s3 =	ssub.s32 $0x0, s20;
	[sflag:s22] =	ssyncset.done $0x0  }
0xa0: {  	[sflag:s22] =	ssyncadd.s32 s3;
	_ =	sdelay $0x1  }
0xa1: {  	s23 =	simm.s32 $0x1B8B  }
0xa2: {  	_ =	swait.ge [sflag:s23], $0x1  }
0xa3: {  	[sflag:s23] =	ssyncset.done $0x0  }
0xa4: {  	s25 =	simm.s32 $0x1B8E;
	s24 =	sld [smem:$0x3FFE];
	[sflag:s23] =	ssyncadd.s32 $0xFFFFFFFF  }
0xa5: {  	s26 =	simm.s32 $execute0_lowered;
	[smem:$0x3FD2] =	sst s25  }
0xa6: {  	s4 =	sshll.u32 s26, $0x1;
	_ =	strace $0x80000046;
	[dreg:$0x1] =	wrdreg $0xFFFFFFFF  }
0xa7: {  	s28 =	simm.s32 $_size_execute0_lowered;
	s2 =	sadd.s32 s2, s4;
	[dreg:$0x0] =	wrdreg $0x0  }
0xa8: {  	s4 =	sshll.u32 s28, $0x1;
	[dreg:$0x2] =	wrdreg s2  }
0xa9: {  	[dreg:$0x3] =	wrdreg s4  }
0xaa: {  	[dreg:$0x4] =	wrdreg $0xC0  }
0xab: {  	_ =	task [dreg:s6], $0x5FFFF  }
0xac: {  	[dreg:$0x1] =	wrdreg $0xFFFFFFFF  }
0xad: {  	[dreg:$0x0] =	wrdreg $0x60  }
0xae: {  	[dreg:$0x2] =	wrdreg s24  }
0xaf: {  	[dreg:$0x3] =	wrdreg $0x9  }
0xb0: {  	_ =	task.clear_ibuf [dreg:s6], $0x4FFFF;
	_ =	strace $0x90000046  }
0xb1: {  	s29 =	simm.s32 $0x9;
	_ =	strace $0x80000048  }
0xb2: {  	_ =	swait.ge [sflag:s29], $0x1  }
0xb3: {  	[sflag:s29] =	ssyncadd.s32 $0xFFFFFFFF  }
0xb4: {  	_ =	strace $0x90000048  }
0xb5: {  	_ =	sfence  }
0xb6: {  	s30 =	sld [smem:$0x0];
	_ =	sdelay $0x2  }
0xb7: {  	s31 =	sshll.u32 s1, $0xD;
	s1 =	sshrl.u32 s1, $0x2  }
0xb8: {  	s3 =	sand.u32 $0x4000, s31;
	s1 =	sadd.s32 s1, s30  }
0xb9: {  	s0 =	sor.u32 s3, s0;
	s1 =	sshll.u32 s1, $0x11  }
0xba: {  	s0 =	sor.u32 s1, s0  }
0xbb: {  	s0 =	sadd.s32 $0x8F2B, s0  }
0xbc: {  	[sflag:s0] =	ssyncadd.remote.s32 $0x1  }
0xbd: {  	_ =	sfence.sel $0xFFFF  }
0xbe: {  	[dreg:$0x0] =	wrdreg $0xFFFFFFFF;
	(pc) =	sbr.abs _section_cstart, $3  }
0xbf: {  	[dreg:$0x1] =	wrdreg $0xFFFFFFFF  }
0xc0: {  	_ =	task.clear_ibuf [dreg:s6], $0x2FFFF;
	_ =	strace $0x9FFFFFFF  }
0xc1: {  	(tm) =	ssettm $0x7FFFFFFF  }
tec
execute0_lowered:
.L_overlay_start_1:
0x0: {  	(tag) =	ssettag $0x1  }
0x1: {  	s3 =	rddreg [dreg:$0x0]  }
0x2: {  	s0 =	rddreg [dreg:$0x1];
	s4 =	srdreg.scid  }
0x3: {  	s1 =	stileid.u32;
	s2 =	simm.s32 $0x0;
	s8 =	simm.s32 $0x2000  }
0x4: {  	s9 =	simm.s32 $0x6000;
	s10 =	simm.s32 $0xA000;
	s11 =	simm.s32 $0xA400  }
0x5: {  	s4 =	sand.u32 $0x1, s4;
	s5 =	sshll.u32 s1, $0x1;
	[smem:$0x7FF] =	sst s2  }
0x6: {  	s12 =	simm.s32 $0x0;
	s5 =	sor.u32 s4, s5;
	_ =	strace $0x80000047  }
0x7: {  	s4 =	ssub.s32 $0x2, s4;
	s6 =	sshll.u32 s5, $0xE;
	s5 =	sshll.u32 s5, $0x7  }
0x8: {  	s7 =	sshrl.u32 s4, $0x1;
	s6 =	sadd.s32 s6, s3;
	s5 =	sadd.s32 s5, s3  }
0x9: {  	v1 =	vlaneseq.u32;
	s7 =	ssub.s32 s4, s7;
	s3 =	sadd.s32 $0x400, s6;
	s4 =	sadd.s32 $0x80400, s5  }
0xa: {  	v0 =	vimm.f32 $0.0e+00;
	v2 =	vimm.f32 $1.000000000e+00;
	v1 =	vmul.u32 $0x400, v1;
	s5 =	sadd.s32 $0x81400, s5;
	s6 =	smax.u32 s7, $0x1;
	s7 =	simm.s32 $0x1  }
.LBB2_1:
0xb: {  	s13 =	simm.s32 $0x40;
	s14 =	simm.s32 $0x0  }
.LBB2_2:
0xc: {  	p0 =	sne.s32 s13, $0xFFC0;
	[tilespmem:s14+$0x2000] =	vst v0;
	s15 =	smov.u32 s13;
	s13 =	sadd.s32 $0x40, s13  }
.Ltmp0:
0xd: {  	[tilespmem:s14+$0x6000] =	vst v0;
	(pc) =	sbr.rel @p0 .LBB2_2-.Ltmp0, $2  }
0xe: {  	_ =	sdelay $0x2  }
0xf: {  	s14 =	sshra.s32 s15, $0x2  }
0x10: {  	[tilespmem:s14+$0x2000] =	vst v0  }
0x11: {  	s13 =	simm.s32 $0x0;
	[tilespmem:s14+$0x6000] =	vst v0;
	s14 =	simm.s32 $0x0  }
.LBB2_4:
0x12: {  	s15 =	sshll.u32 s14, $0xA  }
0x13: {  	s15 =	sadd.s32 s15, s3  }
0x14: {  	[tilespmem:s13], [sflag:$0x1] =	stream.linear.gather [hbm4b:s15+s13], $0x2000, $0x38;
	[tilespmem:$0xA800] =	vst v63  }
0x15: {  	_ =	swait.ge [sflag:s7], $0x2000  }
0x16: {  	[sflag:s7] =	ssyncset.done $0x0  }
0x17: {  	s31 =	simm.s32 $0x0;
	[sflag:s7] =	ssyncadd.s32 $0xFFFFE000  }
0x18: {  	s15 =	simm.s32 $0x40;
	v3 =	vld [tilespmem:s31+$0x0]  }
.LBB2_5:
0x19: {  	p0 =	sne.s32 s15, $0x7FC0;
	_ =	sdelay $0x3  }
0x1a: {  	v4 =	vshrl.u32 v3, $0x15  }
0x1b: {  	v4 =	vand.u32 $0x3FF, v4  }
0x1c: {  	vm0 =	vgt.s32 v3, $0xFFFFFFFF;
	v4 =	vor.u32 v1, v4  }
0x1d: {  	v4 =	vsel vm0, v4, v1;
	_ =	sdelay $0x2  }
.Ltmp1:
0x1e: {  	(pc) =	sbr.rel @p0 .LBB2_5-.Ltmp1, $4  }
0x1f: {  	_ = 	snop  }
0x20: {  	[tilespmem:v4+s8+$0x0] =	vst.idx.add.f32.msk vm0, v2  }
0x21: {  	s16 =	sshra.s32 s15, $0x2;
	[tilespmem:v4+s9+$0x0] =	vst.idx.add.f32.msk vm0, v3  }
0x22: {  	s15 =	sadd.s32 $0x40, s15;
	v3 =	vld [tilespmem:s16+$0x0]  }
0x23: {  	_ =	sdelay $0x3  }
0x24: {  	v4 =	vshrl.u32 v3, $0x15  }
0x25: {  	v4 =	vand.u32 $0x3FF, v4  }
0x26: {  	vm0 =	vgt.s32 v3, $0xFFFFFFFF;
	v4 =	vor.u32 v1, v4  }
0x27: {  	s14 =	sadd.s32 $0x1, s14;
	v4 =	vsel vm0, v4, v1  }
0x28: {  	p0 =	sne.s32 s14, $0x10  }
.Ltmp2:
0x29: {  	_ = 	snop;
	(pc) =	sbr.rel @p0 .LBB2_4-.Ltmp2, $3  }
0x2a: {  	_ =	sdelay $0x1  }
0x2b: {  	[tilespmem:v4+s8+$0x0] =	vst.idx.add.f32.msk vm0, v2  }
0x2c: {  	[tilespmem:v4+s9+$0x0] =	vst.idx.add.f32.msk vm0, v3  }
0x2d: {  	s13 =	simm.s32 $0x0  }
0x2e: {  	v3 =	vld [tilespmem:s13+$0x6000]  }
0x2f: {  	v4 =	vld [tilespmem:s13+$0x2000]  }
0x30: {  	v5 =	vld [tilespmem:s13+$0x6400]  }
0x31: {  	v6 =	vld [tilespmem:s13+$0x2400]  }
0x32: {  	v7 =	vld [tilespmem:s13+$0x6800]  }
0x33: {  	v8 =	vld [tilespmem:s13+$0x2800];
	v3 =	vadd.f32 $0.0e+00, v3  }
0x34: {  	v9 =	vld [tilespmem:s13+$0x6C00];
	v4 =	vadd.f32 $0.0e+00, v4  }
0x35: {  	v3 =	vadd.f32 v5, v3;
	v5 =	vld [tilespmem:s13+$0x2C00]  }
0x36: {  	v10 =	vld [tilespmem:s13+$0x7000];
	v4 =	vadd.f32 v6, v4  }
0x37: {  	v6 =	vld [tilespmem:s13+$0x3000];
	v3 =	vadd.f32 v7, v3  }
0x38: {  	v7 =	vld [tilespmem:s13+$0x7400];
	v4 =	vadd.f32 v8, v4  }
0x39: {  	v8 =	vld [tilespmem:s13+$0x3400];
	v3 =	vadd.f32 v9, v3  }
0x3a: {  	v9 =	vld [tilespmem:s13+$0x7800];
	v4 =	vadd.f32 v5, v4  }
0x3b: {  	v5 =	vld [tilespmem:s13+$0x3800];
	v3 =	vadd.f32 v10, v3  }
0x3c: {  	v10 =	vld [tilespmem:s13+$0x7C00];
	v4 =	vadd.f32 v6, v4  }
0x3d: {  	v6 =	vld [tilespmem:s13+$0x3C00];
	v3 =	vadd.f32 v7, v3  }
0x3e: {  	v7 =	vld [tilespmem:s13+$0x8000];
	v4 =	vadd.f32 v8, v4  }
0x3f: {  	v8 =	vld [tilespmem:s13+$0x4000];
	v3 =	vadd.f32 v9, v3  }
0x40: {  	v9 =	vld [tilespmem:s13+$0x8400];
	v4 =	vadd.f32 v5, v4  }
0x41: {  	v5 =	vld [tilespmem:s13+$0x4400];
	v3 =	vadd.f32 v10, v3  }
0x42: {  	v10 =	vld [tilespmem:s13+$0x8800];
	v4 =	vadd.f32 v6, v4  }
0x43: {  	v6 =	vld [tilespmem:s13+$0x4800];
	v3 =	vadd.f32 v7, v3  }
0x44: {  	v7 =	vld [tilespmem:s13+$0x8C00];
	v4 =	vadd.f32 v8, v4  }
0x45: {  	v8 =	vld [tilespmem:s13+$0x4C00];
	v3 =	vadd.f32 v9, v3  }
0x46: {  	v9 =	vld [tilespmem:s13+$0x9000];
	v4 =	vadd.f32 v5, v4  }
0x47: {  	v3 =	vadd.f32 v10, v3;
	v10 =	vld [tilespmem:s13+$0x5000]  }
0x48: {  	v11 =	vld [tilespmem:s13+$0x9400];
	v5 =	vadd.f32 v6, v4  }
0x49: {  	v6 =	vadd.f32 v7, v3;
	v3 =	vld [tilespmem:s13+$0x5400]  }
0x4a: {  	v4 =	vld [tilespmem:s13+$0x9800];
	v7 =	vadd.f32 v8, v5  }
0x4b: {  	v5 =	vld [tilespmem:s13+$0x5800];
	v9 =	vadd.f32 v9, v6  }
0x4c: {  	v6 =	vld [tilespmem:s13+$0x9C00];
	v8 =	vadd.f32 v10, v7  }
0x4d: {  	s14 =	simm.s32 $0x10;
	s15 =	simm.s32 $0x80;
	v7 =	vld [tilespmem:s13+$0x5C00];
	v9 =	vadd.f32 v11, v9  }
.LBB2_8:
0x4e: {  	p0 =	sne.s32 s15, $0xFC0;
	v10 =	vld [tilespmem:s14+$0x6000];
	v3 =	vadd.f32 v3, v8  }
0x4f: {  	v8 =	vld [tilespmem:s14+$0x2000];
	v4 =	vadd.f32 v4, v9  }
0x50: {  	v9 =	vld [tilespmem:s14+$0x6400];
	v3 =	vadd.f32 v5, v3  }
0x51: {  	v5 =	vld [tilespmem:s14+$0x2400];
	v4 =	vadd.f32 v6, v4  }
0x52: {  	v6 =	vld [tilespmem:s14+$0x6800];
	v3 =	vadd.f32 v7, v3  }
0x53: {  	v7 =	vadd.f32 $0.0e+00, v10;
	v10 =	vld [tilespmem:s14+$0x2800];
	[tilespmem:s13+$0xA400] =	vst v4  }
0x54: {  	v4 =	vadd.f32 $0.0e+00, v8;
	v8 =	vld [tilespmem:s14+$0x6C00];
	[tilespmem:s13+$0xA000] =	vst v3;
	s13 =	smov.u32 s14  }
0x55: {  	v3 =	vadd.f32 v9, v7;
	v7 =	vld [tilespmem:s13+$0x2C00]  }
0x56: {  	v4 =	vadd.f32 v5, v4;
	v5 =	vld [tilespmem:s13+$0x7000]  }
0x57: {  	v3 =	vadd.f32 v6, v3;
	v6 =	vld [tilespmem:s13+$0x3000]  }
0x58: {  	v4 =	vadd.f32 v10, v4;
	v9 =	vld [tilespmem:s13+$0x7400]  }
0x59: {  	v3 =	vadd.f32 v8, v3;
	v8 =	vld [tilespmem:s13+$0x3400]  }
0x5a: {  	v4 =	vadd.f32 v7, v4;
	v7 =	vld [tilespmem:s13+$0x7800]  }
0x5b: {  	v3 =	vadd.f32 v5, v3;
	v5 =	vld [tilespmem:s13+$0x3800]  }
0x5c: {  	v4 =	vadd.f32 v6, v4;
	v6 =	vld [tilespmem:s13+$0x7C00]  }
0x5d: {  	v3 =	vadd.f32 v9, v3;
	v9 =	vld [tilespmem:s13+$0x3C00]  }
0x5e: {  	v4 =	vadd.f32 v8, v4;
	v8 =	vld [tilespmem:s13+$0x8000]  }
0x5f: {  	v3 =	vadd.f32 v7, v3;
	v7 =	vld [tilespmem:s13+$0x4000]  }
0x60: {  	v4 =	vadd.f32 v5, v4;
	v5 =	vld [tilespmem:s13+$0x8400]  }
0x61: {  	v3 =	vadd.f32 v6, v3;
	v6 =	vld [tilespmem:s13+$0x4400]  }
0x62: {  	v4 =	vadd.f32 v9, v4;
	v9 =	vld [tilespmem:s13+$0x8800]  }
0x63: {  	v3 =	vadd.f32 v8, v3;
	v8 =	vld [tilespmem:s13+$0x4800]  }
0x64: {  	v4 =	vadd.f32 v7, v4;
	v7 =	vld [tilespmem:s13+$0x8C00]  }
0x65: {  	v3 =	vadd.f32 v5, v3;
	v5 =	vld [tilespmem:s13+$0x4C00]  }
0x66: {  	v4 =	vadd.f32 v6, v4;
	v6 =	vld [tilespmem:s13+$0x9000]  }
0x67: {  	v3 =	vadd.f32 v9, v3;
	v9 =	vld [tilespmem:s13+$0x5000]  }
0x68: {  	v4 =	vadd.f32 v8, v4;
	v10 =	vld [tilespmem:s13+$0x9400]  }
.Ltmp3:
0x69: {  	v7 =	vadd.f32 v7, v3;
	v3 =	vld [tilespmem:s13+$0x5400];
	(pc) =	sbr.rel @p0 .LBB2_8-.Ltmp3, $4  }
0x6a: {  	v8 =	vadd.f32 v5, v4;
	v4 =	vld [tilespmem:s13+$0x9800]  }
0x6b: {  	v7 =	vadd.f32 v6, v7;
	v5 =	vld [tilespmem:s13+$0x5800]  }
0x6c: {  	v8 =	vadd.f32 v9, v8;
	v6 =	vld [tilespmem:s13+$0x9C00]  }
0x6d: {  	s14 =	sshra.s32 s15, $0x2;
	s15 =	sadd.s32 $0x40, s15;
	v9 =	vadd.f32 v10, v7;
	v7 =	vld [tilespmem:s13+$0x5C00]  }
0x6e: {  	v10 =	vld [tilespmem:s14+$0x6000];
	v3 =	vadd.f32 v3, v8  }
0x6f: {  	v11 =	vld [tilespmem:s14+$0x2000];
	v4 =	vadd.f32 v4, v9  }
0x70: {  	v31 =	vld [tilespmem:s14+$0x6400];
	v3 =	vadd.f32 v5, v3  }
0x71: {  	v32 =	vld [tilespmem:s14+$0x2400];
	v4 =	vadd.f32 v6, v4  }
0x72: {  	v33 =	vld [tilespmem:s14+$0x6800];
	v3 =	vadd.f32 v7, v3  }
0x73: {  	v34 =	vld [tilespmem:s14+$0x2800];
	[tilespmem:s13+$0xA400] =	vst v4;
	v35 =	vadd.f32 $0.0e+00, v10  }
0x74: {  	v37 =	vadd.f32 $0.0e+00, v11;
	v36 =	vld [tilespmem:s14+$0x6C00];
	[tilespmem:s13+$0xA000] =	vst v3  }
0x75: {  	v3 =	vadd.f32 v31, v35;
	v38 =	vld [tilespmem:s14+$0x2C00]  }
0x76: {  	v39 =	vadd.f32 v32, v37;
	v40 =	vld [tilespmem:s14+$0x7000]  }
0x77: {  	v41 =	vld [tilespmem:s14+$0x3000];
	v3 =	vadd.f32 v33, v3  }
0x78: {  	v42 =	vld [tilespmem:s14+$0x7400];
	v6 =	vadd.f32 v34, v39  }
0x79: {  	v43 =	vld [tilespmem:s14+$0x3400];
	v3 =	vadd.f32 v36, v3  }
0x7a: {  	v44 =	vld [tilespmem:s14+$0x7800];
	v4 =	vadd.f32 v38, v6  }
0x7b: {  	v45 =	vld [tilespmem:s14+$0x3800];
	v3 =	vadd.f32 v40, v3  }
0x7c: {  	v46 =	vld [tilespmem:s14+$0x7C00];
	v4 =	vadd.f32 v41, v4  }
0x7d: {  	v47 =	vld [tilespmem:s14+$0x3C00];
	v3 =	vadd.f32 v42, v3  }
0x7e: {  	v48 =	vld [tilespmem:s14+$0x8000];
	v4 =	vadd.f32 v43, v4  }
0x7f: {  	v49 =	vld [tilespmem:s14+$0x4000];
	v3 =	vadd.f32 v44, v3  }
0x80: {  	v50 =	vld [tilespmem:s14+$0x8400];
	v4 =	vadd.f32 v45, v4  }
0x81: {  	v51 =	vld [tilespmem:s14+$0x4400];
	v3 =	vadd.f32 v46, v3  }
0x82: {  	v52 =	vld [tilespmem:s14+$0x8800];
	v4 =	vadd.f32 v47, v4  }
0x83: {  	v53 =	vld [tilespmem:s14+$0x4800];
	v3 =	vadd.f32 v48, v3  }
0x84: {  	v54 =	vld [tilespmem:s14+$0x8C00];
	v4 =	vadd.f32 v49, v4  }
0x85: {  	v55 =	vld [tilespmem:s14+$0x4C00];
	v3 =	vadd.f32 v50, v3  }
0x86: {  	v56 =	vld [tilespmem:s14+$0x9000];
	v4 =	vadd.f32 v51, v4  }
0x87: {  	v57 =	vld [tilespmem:s14+$0x5000];
	v3 =	vadd.f32 v52, v3  }
0x88: {  	v58 =	vld [tilespmem:s14+$0x9400];
	v4 =	vadd.f32 v53, v4  }
0x89: {  	v59 =	vld [tilespmem:s14+$0x5400];
	v3 =	vadd.f32 v54, v3  }
0x8a: {  	v60 =	vld [tilespmem:s14+$0x9800];
	v4 =	vadd.f32 v55, v4  }
0x8b: {  	v61 =	vld [tilespmem:s14+$0x5800];
	v3 =	vadd.f32 v56, v3  }
0x8c: {  	v62 =	vld [tilespmem:s14+$0x9C00];
	v4 =	vadd.f32 v57, v4  }
0x8d: {  	v63 =	vld [tilespmem:s14+$0x5C00];
	v3 =	vadd.f32 v58, v3  }
0x8e: {  	v4 =	vadd.f32 v59, v4  }
0x8f: {  	v3 =	vadd.f32 v60, v3  }
0x90: {  	v4 =	vadd.f32 v61, v4  }
0x91: {  	v3 =	vadd.f32 v62, v3  }
0x92: {  	v4 =	vadd.f32 v63, v4  }
0x93: {  	[tilespmem:s14+$0xA400] =	vst v3  }
0x94: {  	[tilespmem:s14+$0xA000] =	vst v4  }
0x95: {  	[hbm4b:s4+s2] =	stream.linear.scatter [tilespmem:s10], [sflag:$0x1], $0x400, $0x38;
	[tilespmem:$0xA800] =	vst v63  }
0x96: {  	s12 =	sadd.s32 $0x1, s12;
	_ =	swait.ge [sflag:s7], $0x400  }
0x97: {  	p0 =	sne.s32 s12, s6;
	[sflag:s7] =	ssyncset.done $0x0  }
.Ltmp4:
0x98: {  	[sflag:s7] =	ssyncadd.s32 $0xFFFFFC00;
	(pc) =	sbr.rel @p0 .LBB2_1-.Ltmp4, $4  }
0x99: {  	[hbm4b:s5+s2] =	stream.linear.scatter [tilespmem:s11], [sflag:$0x1], $0x400, $0x38;
	[tilespmem:$0xA800] =	vst v63  }
0x9a: {  	_ =	swait.ge [sflag:s7], $0x400  }
0x9b: {  	[sflag:s7] =	ssyncset.done $0x0  }
0x9c: {  	[sflag:s7] =	ssyncadd.s32 $0xFFFFFC00  }
0x9d: {  	_ =	sfence.sel $0x180000  }
0x9e: {  	[bflag:$0x0] =	sbarrier.arrive $0xFFFF  }
0x9f: {  	p0 =	sne.s32 s1, $0x0;
	_ =	strace $0x90000047  }
0xa0: {  	s0 =	sadd.s32 @!p0 $0x100000, s0;
	[bflag:$0x2] =	sbarrier.arrive $0xFFFF  }
0xa1: {  	[sflag:s0] =	ssyncadd.tile.s32 @!p0 $0x1;
	_ =	shalt  }
.Lfunc_end2:
_tile_overlayer_lowered:
.L_overlay_start_2:
0xa2: {  	(tag) =	ssettag $0x2  }
0xa3: {  	s0 =	rddreg [dreg:$0x0];
	s2 =	stileid.u32  }
0xa4: {  	s1 =	rddreg [dreg:$0x1];
	p0 =	sne.s32 s2, $0x0  }
0xa5: {  	s3 =	rddreg [dreg:$0x2];
	[bflag:$0x3] =	sbarrier.arrive $0xFFFF;
	s2 =	simm.s32 @!p0 $0x1C01  }
0xa6: {  	[timem:s3], [sflag:s2] =	dma.local @!p0 [hbm:s0], s1  }
0xa7: {  	s0 =	simm.s32 @!p0 $0x1  }
0xa8: {  	_ =	swait.ge @!p0 [sflag:s0], s1  }
0xa9: {  	s1 =	ssub.s32 @!p0 $0x0, s1;
	[sflag:s0] =	ssyncset.done @!p0 $0x0  }
0xaa: {  	[sflag:s0] =	ssyncadd.s32 @!p0 s1  }
0xab: {  	[bflag:$0x3] =	sbarrier.arrive $0xFFFF  }
0xac: {  	_ =	shalt  }

</sc_bundles>
